<compile_context>
chip_gen: v7x
topology: tpu7x:2x2x1
jax: 0.10.2.dev20260603
libtpu: 0.0.44.dev20260713+nightly
codegen_flags: <defaults>
</compile_context>

<pallas_src>
import functools
import math

import jax
import jax.numpy as jnp
from jax import lax
from jax.experimental import pallas as pl
from jax.experimental.pallas import tpu as pltpu
from jax.experimental.pallas import tpu_sc as plsc

NC = 2
NS = 16
NW = NC * NS
CHUNK = 128


def _sc_mesh():
    return plsc.VectorSubcoreMesh(core_axis_name="c", subcore_axis_name="s")


_SC_PARAMS = pltpu.CompilerParams(
    use_tc_tiling_on_sc=False, needs_layout_passes=False)


def _deg_hist(col_t, n_pad, cpt):
    stripe = n_pad // NS
    ept = cpt * CHUNK

    @functools.partial(
        pl.kernel,
        out_type=jax.ShapeDtypeStruct((NC, n_pad), jnp.float32),
        mesh=_sc_mesh(),
        scratch_types=[
            pltpu.VMEM((cpt, CHUNK), jnp.int32),
            pltpu.VMEM((ept,), jnp.int32),
            pltpu.VMEM((ept,), jnp.float32),
            pltpu.VMEM((stripe,), jnp.float32),
            pltpu.VMEM_SHARED((n_pad,), jnp.float32),
        ],
        compiler_params=_SC_PARAMS,
    )
    def k(col_hbm, out_hbm, col_v, cfl_v, ones_v, zb_v, acc_sh):
        cid = lax.axis_index("c")
        sid = lax.axis_index("s")
        wid = cid * NS + sid
        pltpu.sync_copy(col_hbm.at[wid], col_v)

        def ones_body(j, carry):
            for kk in range(CHUNK // 16):
                o = j * CHUNK + kk * 16
                ones_v[pl.ds(o, 16)] = jnp.ones((16,), jnp.float32)
                cfl_v[pl.ds(o, 16)] = col_v[j, pl.ds(kk * 16, 16)]
            return carry

        lax.fori_loop(0, cpt, ones_body, 0)

        def zb(i, carry):
            zb_v[pl.ds(i * 16, 16)] = jnp.zeros((16,), jnp.float32)
            return carry

        lax.fori_loop(0, stripe // 16, zb, 0)
        pltpu.sync_copy(zb_v, acc_sh.at[pl.ds(sid * stripe, stripe)])
        plsc.subcore_barrier()
        pltpu.sync_copy(ones_v, acc_sh.at[cfl_v], add=True)
        plsc.subcore_barrier()
        pltpu.sync_copy(
            acc_sh.at[pl.ds(sid * stripe, stripe)],
            out_hbm.at[cid, pl.ds(sid * stripe, stripe)],
        )

    return k(col_t)


def _prep_tc(x_pad, W1, d0, d1, n_pad, bn):
    d_in = x_pad.shape[1]
    d_hid = W1.shape[1]

    def body(x_ref, w_ref, d0_ref, d1_ref, y_ref, dis_ref):
        deg = d0_ref[...] + d1_ref[...] + 1.0
        dis = 1.0 / jnp.sqrt(deg)
        xw = jnp.dot(x_ref[...], w_ref[...], preferred_element_type=jnp.float32)
        y_ref[...] = xw * dis[:, None]
        dis_ref[...] = dis

    return pl.pallas_call(
        body,
        grid=(n_pad // bn,),
        in_specs=[
            pl.BlockSpec((bn, d_in), lambda i: (i, 0)),
            pl.BlockSpec((d_in, d_hid), lambda i: (0, 0)),
            pl.BlockSpec((bn,), lambda i: (i,)),
            pl.BlockSpec((bn,), lambda i: (i,)),
        ],
        out_specs=[
            pl.BlockSpec((bn, d_hid), lambda i: (i, 0)),
            pl.BlockSpec((bn,), lambda i: (i,)),
        ],
        out_shape=[
            jax.ShapeDtypeStruct((n_pad, d_hid), jnp.float32),
            jax.ShapeDtypeStruct((n_pad,), jnp.float32),
        ],
    )(x_pad, W1, d0, d1)


def _edge_pass(y_pad, dis_pad, row_t, col_t, n_pad, cpt, kdepth):
    stripe = n_pad // NS
    d_hid = y_pad.shape[1]
    qs = stripe // 16
    ept = cpt * CHUNK

    @functools.partial(
        pl.kernel,
        out_type=(
            jax.ShapeDtypeStruct((NC, n_pad, d_hid), jnp.float32),
            jax.ShapeDtypeStruct((NC, n_pad), jnp.float32),
        ),
        mesh=_sc_mesh(),
        scratch_types=[
            pltpu.VMEM((cpt, CHUNK), jnp.int32),
            pltpu.VMEM((cpt, CHUNK), jnp.int32),
            pltpu.VMEM((ept,), jnp.int32),
            pltpu.VMEM((1, CHUNK, d_hid), jnp.float32),
            pltpu.VMEM((ept,), jnp.float32),
            pltpu.VMEM((qs, d_hid), jnp.float32),
            pltpu.VMEM((stripe,), jnp.float32),
            pltpu.VMEM((n_pad,), jnp.float32),
            pltpu.VMEM_SHARED((n_pad, d_hid), jnp.float32),
            pltpu.VMEM_SHARED((n_pad,), jnp.float32),
        ],
        compiler_params=_SC_PARAMS,
    )
    def k(y_hbm, dis_hbm, row_hbm, col_hbm, z_hbm, s_hbm,
          row_v, col_v, rfl_v, gbuf, dbuf, zb2, zb1, dis_v, z_sh, s_sh):
        cid = lax.axis_index("c")
        sid = lax.axis_index("s")
        wid = cid * NS + sid

        def zb2body(i, carry):
            for kk in range(d_hid // 16):
                zb2[i, pl.ds(kk * 16, 16)] = jnp.zeros((16,), jnp.float32)
            return carry

        lax.fori_loop(0, qs, zb2body, 0)

        def zb1body(i, carry):
            zb1[pl.ds(i * 16, 16)] = jnp.zeros((16,), jnp.float32)
            return carry

        lax.fori_loop(0, stripe // 16, zb1body, 0)
        for t in range(16):
            pltpu.sync_copy(zb2, z_sh.at[pl.ds(sid * stripe + t * qs, qs)])
        pltpu.sync_copy(zb1, s_sh.at[pl.ds(sid * stripe, stripe)])
        pltpu.sync_copy(row_hbm.at[wid], row_v)
        pltpu.sync_copy(col_hbm.at[wid], col_v)
        pltpu.sync_copy(dis_hbm, dis_v)
        plsc.subcore_barrier()

        def body(j, carry):
            pltpu.sync_copy(y_hbm.at[row_v.at[j]], gbuf.at[0])
            pltpu.sync_copy(gbuf.at[0], z_sh.at[col_v.at[j]], add=True)
            for kk in range(CHUNK // 16):
                o = j * CHUNK + kk * 16
                idx = col_v[j, pl.ds(kk * 16, 16)]
                dbuf[pl.ds(o, 16)] = plsc.load_gather(dis_v, [idx])
                rfl_v[pl.ds(o, 16)] = row_v[j, pl.ds(kk * 16, 16)]
            return carry

        lax.fori_loop(0, cpt, body, 0)
        pltpu.sync_copy(dbuf, s_sh.at[rfl_v], add=True)
        plsc.subcore_barrier()
        pltpu.sync_copy(
            z_sh.at[pl.ds(sid * stripe, stripe)],
            z_hbm.at[cid, pl.ds(sid * stripe, stripe)],
        )
        pltpu.sync_copy(
            s_sh.at[pl.ds(sid * stripe, stripe)],
            s_hbm.at[cid, pl.ds(sid * stripe, stripe)],
        )

    return k(y_pad, dis_pad, row_t, col_t)


def _final_tc(z0, z1, y, dis, s0, s1, mask, w2r, b1r, b2r, n, n_pad, bn):
    d_hid = y.shape[1]
    nblk = n_pad // bn

    def body(z0_ref, z1_ref, y_ref, dis_ref, s0_ref, s1_ref, m_ref,
             w2_ref, b1_ref, b2_ref, out_ref, comp_ref):
        i = pl.program_id(0)
        dis = dis_ref[...]
        pre = dis[:, None] * (z0_ref[...] + z1_ref[...] + y_ref[...]) + b1_ref[...]
        h1 = jnp.maximum(pre, 0.0)
        hw2 = jnp.dot(h1, w2_ref[...], preferred_element_type=jnp.float32)[:, 0]
        s = s0_ref[...] + s1_ref[...] + dis
        contrib = m_ref[...] * dis * s * hw2
        part = jnp.sum(contrib)

        @pl.when(i == 0)
        def _():
            out_ref[...] = jnp.zeros_like(out_ref)
            comp_ref[...] = jnp.zeros_like(comp_ref)

        yv = part - comp_ref[...]
        tv = out_ref[...] + yv
        comp_ref[...] = (tv - out_ref[...]) - yv
        out_ref[...] = tv

        @pl.when(i == nblk - 1)
        def _():
            out_ref[...] = out_ref[...] * (1.0 / n) + b2_ref[...]

    vec = lambda: pl.BlockSpec((bn,), lambda i: (i,))
    mat = lambda: pl.BlockSpec((bn, d_hid), lambda i: (i, 0))
    return pl.pallas_call(
        body,
        grid=(nblk,),
        in_specs=[
            mat(), mat(), mat(), vec(), vec(), vec(), vec(),
            pl.BlockSpec((d_hid, 128), lambda i: (0, 0)),
            pl.BlockSpec((1, d_hid), lambda i: (0, 0)),
            pl.BlockSpec((1, 1), lambda i: (0, 0)),
        ],
        out_specs=pl.BlockSpec((1, 1), lambda i: (0, 0)),
        out_shape=jax.ShapeDtypeStruct((1, 1), jnp.float32),
        scratch_shapes=[pltpu.VMEM((1, 1), jnp.float32)],
    )(z0, z1, y, dis, s0, s1, mask, w2r, b1r, b2r)


def kernel(x, edge_index, W1, b1, W2, b2):
    n, d_in = x.shape
    e = edge_index.shape[1]
    d_hid = W1.shape[1]
    bn = 512
    kdepth = 1
    n_pad = math.ceil((n + 1) / (NS * bn // NS)) * bn
    cpt = math.ceil(e / (NW * CHUNK * kdepth)) * kdepth
    e_pad = NW * cpt * CHUNK

    row = edge_index[0]
    col = edge_index[1]
    pad_e = e_pad - e
    spare = n_pad - n
    dummy = n + jnp.arange(pad_e, dtype=edge_index.dtype) % spare
    row_t = jnp.concatenate([row, dummy]).reshape(cpt, NW, CHUNK).swapaxes(0, 1)
    col_t = jnp.concatenate([col, dummy]).reshape(cpt, NW, CHUNK).swapaxes(0, 1)
    x_pad = jnp.zeros((n_pad, d_in), x.dtype).at[:n].set(x)

    degp = _deg_hist(col_t, n_pad, cpt)
    y_pad, dis_pad = _prep_tc(x_pad, W1, degp[0], degp[1], n_pad, bn)
    z_p, s_p = _edge_pass(y_pad, dis_pad, row_t, col_t, n_pad, cpt, kdepth)

    mask = (jnp.arange(n_pad) < n).astype(jnp.float32)
    w2m = jnp.tile(W2.reshape(d_hid, 1), (1, 128))
    out2 = _final_tc(
        z_p[0], z_p[1], y_pad, dis_pad, s_p[0], s_p[1], mask,
        w2m, b1.reshape(1, d_hid), b2.reshape(1, 1),
        n, n_pad, bn,
    )
    return out2.reshape(1)

# --- scband reference (transcript-rebuilt; emitter-appended) ---
"""Pipeline reference for scband-simple-gcn-83262236000846 (READ-ONLY COPY).

The authoritative reference and input builder live on the scoring server;
editing this copy changes nothing except your own understanding.
"""

import jax, jax.numpy as jnp
import numpy as np

N = 10000
E = 320000
D_IN = 128
D_HID = 64


def gcn_conv(x, edge_index, W, b):
    n = x.shape[0]
    loops = jnp.arange(n, dtype=edge_index.dtype)
    ei = jnp.concatenate([edge_index, jnp.stack([loops, loops])], axis=1)
    row, col = ei[0], ei[1]
    xw = x @ W
    deg = jax.ops.segment_sum(jnp.ones(ei.shape[1], dtype=x.dtype), col, num_segments=n)
    deg_inv_sqrt = jnp.where(deg > 0, 1.0 / jnp.sqrt(deg), 0.0)
    norm = deg_inv_sqrt[row] * deg_inv_sqrt[col]
    msgs = xw[row] * norm[:, None]
    out = jax.ops.segment_sum(msgs, col, num_segments=n)
    return out + b


def setup_inputs(seed: int = 0) -> dict:
    key = jax.random.key(seed)
    k1, k2, k3, k4, k5, k6 = jax.random.split(key, 6)
    x = jax.random.normal(k1, (N, D_IN), dtype=jnp.float32)
    edge_index = jax.random.randint(k2, (2, E), 0, N, dtype=jnp.int32)
    W1 = jax.random.normal(k3, (D_IN, D_HID), dtype=jnp.float32) * (1.0 / np.sqrt(D_IN))
    b1 = jnp.zeros((D_HID,), dtype=jnp.float32)
    W2 = jax.random.normal(k4, (D_HID, 1), dtype=jnp.float32) * (1.0 / np.sqrt(D_HID))
    b2 = jnp.zeros((1,), dtype=jnp.float32)
    return {"x": x, "edge_index": edge_index, "W1": W1, "b1": b1, "W2": W2, "b2": b2}


def reference(x, edge_index, W1, b1, W2, b2):
    # conv1 + relu (dropout is identity in eval mode)
    h = gcn_conv(x, edge_index, W1, b1)
    h = jax.nn.relu(h)
    # conv2
    h = gcn_conv(h, edge_index, W2, b2)
    # mean over nodes -> shape [1]
    return jnp.mean(h, axis=0)

if __name__ == "__main__":
    import jax
    _d = setup_inputs()
    print(jax.jit(kernel)(*tuple(_d.values())))

</pallas_src>

<mosaic_0001>
#map = affine_map<(d0, d1) -> (0, 0, 0)>
#map1 = affine_map<(d0, d1) -> (0, 0)>
module attributes {stable_mosaic.version = 14 : i64} {
  func.func @k(%arg0: i32, %arg1: i32, %arg2: memref<32x79x128xi32, #tpu.memory_space<hbm>>, %arg3: memref<2x10240xf32, #tpu.memory_space<hbm>>, %arg4: memref<79x128xi32, #tpu.memory_space<vmem>>, %arg5: memref<10112xi32, #tpu.memory_space<vmem>>, %arg6: memref<10112xf32, #tpu.memory_space<vmem>>, %arg7: memref<640xf32, #tpu.memory_space<vmem>>, %arg8: memref<10240xf32, #tpu.memory_space<vmem_shared>>) attributes {dimension_semantics = [#tpu.dimension_semantics<core_parallel>, #tpu.dimension_semantics<subcore_parallel>], iteration_bounds = array<i64: 2, 16>, scalar_prefetch = 0 : i64, scratch_operands = 5 : i64, tpu.core_type = #tpu.core_type<sc_vector_subcore>, window_params = [{transform_indices = #map}, {transform_indices = #map1}]} {
    %mul3A = arith.constant 16 : i32
    %mul3A_0 = arith.muli %arg0, %mul3A : i32
    %add3A = arith.addi %mul3A_0, %arg1 : i32
    "tpu.region"() ({
      %run_scoped3A = tpu.sem_alloc : memref<!tpu.dma_semaphore, #tpu.memory_space<semaphore_mem>>
      %dma_start3A = arith.constant 0 : i32
      %dma_start3A_19 = arith.constant 0 : i32
      %dma_start3A_20 = tpu.memref_slice %arg2[%add3A, %dma_start3A, %dma_start3A_19] : memref<32x79x128xi32, #tpu.memory_space<hbm>> -> memref<1x79x128xi32, #tpu.memory_space<hbm>>
      %dma_start3A_21 = tpu.memref_squeeze %dma_start3A_20 : memref<1x79x128xi32, #tpu.memory_space<hbm>> -> memref<79x128xi32, #tpu.memory_space<hbm>>
      %dma_start3A_22 = arith.constant 0 : i32
      %dma_start3A_23 = arith.constant 0 : i32
      %dma_start3A_24 = tpu.memref_slice %arg2[%add3A, %dma_start3A_22, %dma_start3A_23] : memref<32x79x128xi32, #tpu.memory_space<hbm>> -> memref<1x79x128xi32, #tpu.memory_space<hbm>>
      %dma_start3A_25 = tpu.memref_squeeze %dma_start3A_24 : memref<1x79x128xi32, #tpu.memory_space<hbm>> -> memref<79x128xi32, #tpu.memory_space<hbm>>
      tpu.enqueue_dma source(%dma_start3A_25 : memref<79x128xi32, #tpu.memory_space<hbm>>) target(%arg4 : memref<79x128xi32, #tpu.memory_space<vmem>>) target_semaphore(%run_scoped3A : memref<!tpu.dma_semaphore, #tpu.memory_space<semaphore_mem>>)
      %dma_wait3A = arith.constant 0 : i32
      %dma_wait3A_26 = arith.constant 0 : i32
      %dma_wait3A_27 = tpu.memref_slice %arg2[%add3A, %dma_wait3A, %dma_wait3A_26] : memref<32x79x128xi32, #tpu.memory_space<hbm>> -> memref<1x79x128xi32, #tpu.memory_space<hbm>>
      %dma_wait3A_28 = tpu.memref_squeeze %dma_wait3A_27 : memref<1x79x128xi32, #tpu.memory_space<hbm>> -> memref<79x128xi32, #tpu.memory_space<hbm>>
      %dma_wait3A_29 = arith.constant 0 : i32
      %dma_wait3A_30 = arith.constant 0 : i32
      %dma_wait3A_31 = tpu.memref_slice %arg2[%add3A, %dma_wait3A_29, %dma_wait3A_30] : memref<32x79x128xi32, #tpu.memory_space<hbm>> -> memref<1x79x128xi32, #tpu.memory_space<hbm>>
      %dma_wait3A_32 = tpu.memref_squeeze %dma_wait3A_31 : memref<1x79x128xi32, #tpu.memory_space<hbm>> -> memref<79x128xi32, #tpu.memory_space<hbm>>
      tpu.wait_dma2 semaphore(%run_scoped3A : memref<!tpu.dma_semaphore, #tpu.memory_space<semaphore_mem>>) src(%dma_wait3A_32 : memref<79x128xi32, #tpu.memory_space<hbm>>) dst(%arg4 : memref<79x128xi32, #tpu.memory_space<vmem>>)
      tpu.yield
    }) : () -> ()
    %scan3A = arith.constant 0 : i32
    %scan3A_1 = arith.constant 0 : i32
    %scan3A_2 = arith.constant 79 : i32
    %scan3A_3 = arith.addi %scan3A_1, %scan3A_2 : i32
    %scan3A_4 = arith.constant 1 : i32
    scf.for %scan3A_19 = %scan3A_1 to %scan3A_3 step %scan3A_4  : i32 {
      %mul3A_20 = arith.constant 128 : i32
      %mul3A_21 = arith.muli %scan3A_19, %mul3A_20 : i32
      %add3A_22 = arith.constant 0 : i32
      %add3A_23 = arith.addi %mul3A_21, %add3A_22 : i32
      %broadcast_in_dim3A = arith.constant 1.000000e+00 : f32
      %broadcast_in_dim3A_24 = vector.broadcast %broadcast_in_dim3A : f32 to vector<16xf32>
      %swap3A = arith.index_cast %add3A_23 : i32 to index
      %swap3A_25 = tpu.vector_load %arg6[%swap3A] {strides = array<i32>} : memref<10112xf32, #tpu.memory_space<vmem>>, vector<16xf32>,
      tpu.vector_store %arg6[%swap3A], %broadcast_in_dim3A_24 {strides = array<i32>} : memref<10112xf32, #tpu.memory_space<vmem>>, vector<16xf32>,
      %get3A = arith.index_cast %scan3A_19 : i32 to index
      %get3A_26 = arith.constant 0 : index
      %get3A_27 = tpu.vector_load %arg4[%get3A, %get3A_26] {strides = array<i32>} : memref<79x128xi32, #tpu.memory_space<vmem>>, vector<16xi32>,
      %swap3A_28 = arith.index_cast %add3A_23 : i32 to index
      %swap3A_29 = tpu.vector_load %arg5[%swap3A_28] {strides = array<i32>} : memref<10112xi32, #tpu.memory_space<vmem>>, vector<16xi32>,
      tpu.vector_store %arg5[%swap3A_28], %get3A_27 {strides = array<i32>} : memref<10112xi32, #tpu.memory_space<vmem>>, vector<16xi32>,
      %mul3A_30 = arith.constant 128 : i32
      %mul3A_31 = arith.muli %scan3A_19, %mul3A_30 : i32
      %add3A_32 = arith.constant 16 : i32
      %add3A_33 = arith.addi %mul3A_31, %add3A_32 : i32
      %broadcast_in_dim3A_34 = arith.constant 1.000000e+00 : f32
      %broadcast_in_dim3A_35 = vector.broadcast %broadcast_in_dim3A_34 : f32 to vector<16xf32>
      %swap3A_36 = arith.index_cast %add3A_33 : i32 to index
      %swap3A_37 = tpu.vector_load %arg6[%swap3A_36] {strides = array<i32>} : memref<10112xf32, #tpu.memory_space<vmem>>, vector<16xf32>,
      tpu.vector_store %arg6[%swap3A_36], %broadcast_in_dim3A_35 {strides = array<i32>} : memref<10112xf32, #tpu.memory_space<vmem>>, vector<16xf32>,
      %get3A_38 = arith.index_cast %scan3A_19 : i32 to index
      %get3A_39 = arith.constant 16 : index
      %get3A_40 = tpu.vector_load %arg4[%get3A_38, %get3A_39] {strides = array<i32>} : memref<79x128xi32, #tpu.memory_space<vmem>>, vector<16xi32>,
      %swap3A_41 = arith.index_cast %add3A_33 : i32 to index
      %swap3A_42 = tpu.vector_load %arg5[%swap3A_41] {strides = array<i32>} : memref<10112xi32, #tpu.memory_space<vmem>>, vector<16xi32>,
      tpu.vector_store %arg5[%swap3A_41], %get3A_40 {strides = array<i32>} : memref<10112xi32, #tpu.memory_space<vmem>>, vector<16xi32>,
      %mul3A_43 = arith.constant 128 : i32
      %mul3A_44 = arith.muli %scan3A_19, %mul3A_43 : i32
      %add3A_45 = arith.constant 32 : i32
      %add3A_46 = arith.addi %mul3A_44, %add3A_45 : i32
      %broadcast_in_dim3A_47 = arith.constant 1.000000e+00 : f32
      %broadcast_in_dim3A_48 = vector.broadcast %broadcast_in_dim3A_47 : f32 to vector<16xf32>
      %swap3A_49 = arith.index_cast %add3A_46 : i32 to index
      %swap3A_50 = tpu.vector_load %arg6[%swap3A_49] {strides = array<i32>} : memref<10112xf32, #tpu.memory_space<vmem>>, vector<16xf32>,
      tpu.vector_store %arg6[%swap3A_49], %broadcast_in_dim3A_48 {strides = array<i32>} : memref<10112xf32, #tpu.memory_space<vmem>>, vector<16xf32>,
      %get3A_51 = arith.index_cast %scan3A_19 : i32 to index
      %get3A_52 = arith.constant 32 : index
      %get3A_53 = tpu.vector_load %arg4[%get3A_51, %get3A_52] {strides = array<i32>} : memref<79x128xi32, #tpu.memory_space<vmem>>, vector<16xi32>,
      %swap3A_54 = arith.index_cast %add3A_46 : i32 to index
      %swap3A_55 = tpu.vector_load %arg5[%swap3A_54] {strides = array<i32>} : memref<10112xi32, #tpu.memory_space<vmem>>, vector<16xi32>,
      tpu.vector_store %arg5[%swap3A_54], %get3A_53 {strides = array<i32>} : memref<10112xi32, #tpu.memory_space<vmem>>, vector<16xi32>,
      %mul3A_56 = arith.constant 128 : i32
      %mul3A_57 = arith.muli %scan3A_19, %mul3A_56 : i32
      %add3A_58 = arith.constant 48 : i32
      %add3A_59 = arith.addi %mul3A_57, %add3A_58 : i32
      %broadcast_in_dim3A_60 = arith.constant 1.000000e+00 : f32
      %broadcast_in_dim3A_61 = vector.broadcast %broadcast_in_dim3A_60 : f32 to vector<16xf32>
      %swap3A_62 = arith.index_cast %add3A_59 : i32 to index
      %swap3A_63 = tpu.vector_load %arg6[%swap3A_62] {strides = array<i32>} : memref<10112xf32, #tpu.memory_space<vmem>>, vector<16xf32>,
      tpu.vector_store %arg6[%swap3A_62], %broadcast_in_dim3A_61 {strides = array<i32>} : memref<10112xf32, #tpu.memory_space<vmem>>, vector<16xf32>,
      %get3A_64 = arith.index_cast %scan3A_19 : i32 to index
      %get3A_65 = arith.constant 48 : index
      %get3A_66 = tpu.vector_load %arg4[%get3A_64, %get3A_65] {strides = array<i32>} : memref<79x128xi32, #tpu.memory_space<vmem>>, vector<16xi32>,
      %swap3A_67 = arith.index_cast %add3A_59 : i32 to index
      %swap3A_68 = tpu.vector_load %arg5[%swap3A_67] {strides = array<i32>} : memref<10112xi32, #tpu.memory_space<vmem>>, vector<16xi32>,
      tpu.vector_store %arg5[%swap3A_67], %get3A_66 {strides = array<i32>} : memref<10112xi32, #tpu.memory_space<vmem>>, vector<16xi32>,
      %mul3A_69 = arith.constant 128 : i32
      %mul3A_70 = arith.muli %scan3A_19, %mul3A_69 : i32
      %add3A_71 = arith.constant 64 : i32
      %add3A_72 = arith.addi %mul3A_70, %add3A_71 : i32
      %broadcast_in_dim3A_73 = arith.constant 1.000000e+00 : f32
      %broadcast_in_dim3A_74 = vector.broadcast %broadcast_in_dim3A_73 : f32 to vector<16xf32>
      %swap3A_75 = arith.index_cast %add3A_72 : i32 to index
      %swap3A_76 = tpu.vector_load %arg6[%swap3A_75] {strides = array<i32>} : memref<10112xf32, #tpu.memory_space<vmem>>, vector<16xf32>,
      tpu.vector_store %arg6[%swap3A_75], %broadcast_in_dim3A_74 {strides = array<i32>} : memref<10112xf32, #tpu.memory_space<vmem>>, vector<16xf32>,
      %get3A_77 = arith.index_cast %scan3A_19 : i32 to index
      %get3A_78 = arith.constant 64 : index
      %get3A_79 = tpu.vector_load %arg4[%get3A_77, %get3A_78] {strides = array<i32>} : memref<79x128xi32, #tpu.memory_space<vmem>>, vector<16xi32>,
      %swap3A_80 = arith.index_cast %add3A_72 : i32 to index
      %swap3A_81 = tpu.vector_load %arg5[%swap3A_80] {strides = array<i32>} : memref<10112xi32, #tpu.memory_space<vmem>>, vector<16xi32>,
      tpu.vector_store %arg5[%swap3A_80], %get3A_79 {strides = array<i32>} : memref<10112xi32, #tpu.memory_space<vmem>>, vector<16xi32>,
      %mul3A_82 = arith.constant 128 : i32
      %mul3A_83 = arith.muli %scan3A_19, %mul3A_82 : i32
      %add3A_84 = arith.constant 80 : i32
      %add3A_85 = arith.addi %mul3A_83, %add3A_84 : i32
      %broadcast_in_dim3A_86 = arith.constant 1.000000e+00 : f32
      %broadcast_in_dim3A_87 = vector.broadcast %broadcast_in_dim3A_86 : f32 to vector<16xf32>
      %swap3A_88 = arith.index_cast %add3A_85 : i32 to index
      %swap3A_89 = tpu.vector_load %arg6[%swap3A_88] {strides = array<i32>} : memref<10112xf32, #tpu.memory_space<vmem>>, vector<16xf32>,
      tpu.vector_store %arg6[%swap3A_88], %broadcast_in_dim3A_87 {strides = array<i32>} : memref<10112xf32, #tpu.memory_space<vmem>>, vector<16xf32>,
      %get3A_90 = arith.index_cast %scan3A_19 : i32 to index
      %get3A_91 = arith.constant 80 : index
      %get3A_92 = tpu.vector_load %arg4[%get3A_90, %get3A_91] {strides = array<i32>} : memref<79x128xi32, #tpu.memory_space<vmem>>, vector<16xi32>,
      %swap3A_93 = arith.index_cast %add3A_85 : i32 to index
      %swap3A_94 = tpu.vector_load %arg5[%swap3A_93] {strides = array<i32>} : memref<10112xi32, #tpu.memory_space<vmem>>, vector<16xi32>,
      tpu.vector_store %arg5[%swap3A_93], %get3A_92 {strides = array<i32>} : memref<10112xi32, #tpu.memory_space<vmem>>, vector<16xi32>,
      %mul3A_95 = arith.constant 128 : i32
      %mul3A_96 = arith.muli %scan3A_19, %mul3A_95 : i32
      %add3A_97 = arith.constant 96 : i32
      %add3A_98 = arith.addi %mul3A_96, %add3A_97 : i32
      %broadcast_in_dim3A_99 = arith.constant 1.000000e+00 : f32
      %broadcast_in_dim3A_100 = vector.broadcast %broadcast_in_dim3A_99 : f32 to vector<16xf32>
      %swap3A_101 = arith.index_cast %add3A_98 : i32 to index
      %swap3A_102 = tpu.vector_load %arg6[%swap3A_101] {strides = array<i32>} : memref<10112xf32, #tpu.memory_space<vmem>>, vector<16xf32>,
      tpu.vector_store %arg6[%swap3A_101], %broadcast_in_dim3A_100 {strides = array<i32>} : memref<10112xf32, #tpu.memory_space<vmem>>, vector<16xf32>,
      %get3A_103 = arith.index_cast %scan3A_19 : i32 to index
      %get3A_104 = arith.constant 96 : index
      %get3A_105 = tpu.vector_load %arg4[%get3A_103, %get3A_104] {strides = array<i32>} : memref<79x128xi32, #tpu.memory_space<vmem>>, vector<16xi32>,
      %swap3A_106 = arith.index_cast %add3A_98 : i32 to index
      %swap3A_107 = tpu.vector_load %arg5[%swap3A_106] {strides = array<i32>} : memref<10112xi32, #tpu.memory_space<vmem>>, vector<16xi32>,
      tpu.vector_store %arg5[%swap3A_106], %get3A_105 {strides = array<i32>} : memref<10112xi32, #tpu.memory_space<vmem>>, vector<16xi32>,
      %mul3A_108 = arith.constant 128 : i32
      %mul3A_109 = arith.muli %scan3A_19, %mul3A_108 : i32
      %add3A_110 = arith.constant 112 : i32
      %add3A_111 = arith.addi %mul3A_109, %add3A_110 : i32
      %broadcast_in_dim3A_112 = arith.constant 1.000000e+00 : f32
      %broadcast_in_dim3A_113 = vector.broadcast %broadcast_in_dim3A_112 : f32 to vector<16xf32>
      %swap3A_114 = arith.index_cast %add3A_111 : i32 to index
      %swap3A_115 = tpu.vector_load %arg6[%swap3A_114] {strides = array<i32>} : memref<10112xf32, #tpu.memory_space<vmem>>, vector<16xf32>,
      tpu.vector_store %arg6[%swap3A_114], %broadcast_in_dim3A_113 {strides = array<i32>} : memref<10112xf32, #tpu.memory_space<vmem>>, vector<16xf32>,
      %get3A_116 = arith.index_cast %scan3A_19 : i32 to index
      %get3A_117 = arith.constant 112 : index
      %get3A_118 = tpu.vector_load %arg4[%get3A_116, %get3A_117] {strides = array<i32>} : memref<79x128xi32, #tpu.memory_space<vmem>>, vector<16xi32>,
      %swap3A_119 = arith.index_cast %add3A_111 : i32 to index
      %swap3A_120 = tpu.vector_load %arg5[%swap3A_119] {strides = array<i32>} : memref<10112xi32, #tpu.memory_space<vmem>>, vector<16xi32>,
      tpu.vector_store %arg5[%swap3A_119], %get3A_118 {strides = array<i32>} : memref<10112xi32, #tpu.memory_space<vmem>>, vector<16xi32>,
    }
    %scan3A_5 = arith.constant 79 : i32
    %scan3A_6 = arith.constant 0 : i32
    %scan3A_7 = arith.constant 0 : i32
    %scan3A_8 = arith.constant 40 : i32
    %scan3A_9 = arith.addi %scan3A_7, %scan3A_8 : i32
    %scan3A_10 = arith.constant 1 : i32
    scf.for %scan3A_19 = %scan3A_7 to %scan3A_9 step %scan3A_10  : i32 {
      %broadcast_in_dim3A = arith.constant 0.000000e+00 : f32
      %broadcast_in_dim3A_20 = vector.broadcast %broadcast_in_dim3A : f32 to vector<16xf32>
      %mul3A_21 = arith.constant 16 : i32
      %mul3A_22 = arith.muli %scan3A_19, %mul3A_21 : i32
      %swap3A = arith.index_cast %mul3A_22 : i32 to index
      %swap3A_23 = tpu.vector_load %arg7[%swap3A] {strides = array<i32>} : memref<640xf32, #tpu.memory_space<vmem>>, vector<16xf32>,
      tpu.vector_store %arg7[%swap3A], %broadcast_in_dim3A_20 {strides = array<i32>} : memref<640xf32, #tpu.memory_space<vmem>>, vector<16xf32>,
    }
    %scan3A_11 = arith.constant 40 : i32
    %mul3A_12 = arith.constant 640 : i32
    %mul3A_13 = arith.muli %arg1, %mul3A_12 : i32
    "tpu.region"() ({
      %run_scoped3A = tpu.sem_alloc : memref<!tpu.dma_semaphore, #tpu.memory_space<semaphore_mem>>
      %dma_start3A = tpu.memref_slice %arg8[%mul3A_13] : memref<10240xf32, #tpu.memory_space<vmem_shared>> -> memref<640xf32, #tpu.memory_space<vmem_shared>>
      %dma_start3A_19 = tpu.memref_slice %arg8[%mul3A_13] : memref<10240xf32, #tpu.memory_space<vmem_shared>> -> memref<640xf32, #tpu.memory_space<vmem_shared>>
      tpu.enqueue_dma source(%arg7 : memref<640xf32, #tpu.memory_space<vmem>>) target(%dma_start3A_19 : memref<640xf32, #tpu.memory_space<vmem_shared>>) target_semaphore(%run_scoped3A : memref<!tpu.dma_semaphore, #tpu.memory_space<semaphore_mem>>)
      %dma_wait3A = tpu.memref_slice %arg8[%mul3A_13] : memref<10240xf32, #tpu.memory_space<vmem_shared>> -> memref<640xf32, #tpu.memory_space<vmem_shared>>
      %dma_wait3A_20 = tpu.memref_slice %arg8[%mul3A_13] : memref<10240xf32, #tpu.memory_space<vmem_shared>> -> memref<640xf32, #tpu.memory_space<vmem_shared>>
      tpu.wait_dma2 semaphore(%run_scoped3A : memref<!tpu.dma_semaphore, #tpu.memory_space<semaphore_mem>>) src(%arg7 : memref<640xf32, #tpu.memory_space<vmem>>) dst(%dma_wait3A_20 : memref<640xf32, #tpu.memory_space<vmem_shared>>)
      tpu.yield
    }) : () -> ()
    %barrier3A = arith.constant 0 : index
    tpu.barrier barrier_id(%barrier3A)
    "tpu.region"() ({
      %run_scoped3A = tpu.sem_alloc : memref<!tpu.dma_semaphore, #tpu.memory_space<semaphore_mem>>
      %dma_start3A = arith.constant 0 : i32
      %dma_start3A_19 = tpu.memref_slice %arg8[%dma_start3A] : memref<10240xf32, #tpu.memory_space<vmem_shared>> -> memref<10240xf32, #tpu.memory_space<vmem_shared>>
      tpu.enqueue_indirect_dma source(%arg6 : memref<10112xf32, #tpu.memory_space<vmem>>) target(%dma_start3A_19 : memref<10240xf32, #tpu.memory_space<vmem_shared>>) offsets(%arg5 : memref<10112xi32, #tpu.memory_space<vmem>>) semaphore(%run_scoped3A : memref<!tpu.dma_semaphore, #tpu.memory_space<semaphore_mem>>) {add = true}
      %dma_wait3A = arith.constant 0 : i32
      %dma_wait3A_20 = tpu.memref_slice %arg8[%dma_wait3A] : memref<10240xf32, #tpu.memory_space<vmem_shared>> -> memref<10240xf32, #tpu.memory_space<vmem_shared>>
      tpu.wait_indirect_dma semaphore(%run_scoped3A : memref<!tpu.dma_semaphore, #tpu.memory_space<semaphore_mem>>) src(%arg6 : memref<10112xf32, #tpu.memory_space<vmem>>) dst(%dma_wait3A_20 : memref<10240xf32, #tpu.memory_space<vmem_shared>>)
      tpu.yield
    }) : () -> ()
    %barrier3A_14 = arith.constant 0 : index
    tpu.barrier barrier_id(%barrier3A_14)
    %mul3A_15 = arith.constant 640 : i32
    %mul3A_16 = arith.muli %arg1, %mul3A_15 : i32
    %mul3A_17 = arith.constant 640 : i32
    %mul3A_18 = arith.muli %arg1, %mul3A_17 : i32
    "tpu.region"() ({
      %run_scoped3A = tpu.sem_alloc : memref<!tpu.dma_semaphore, #tpu.memory_space<semaphore_mem>>
      %dma_start3A = tpu.memref_slice %arg3[%arg0, %mul3A_18] : memref<2x10240xf32, #tpu.memory_space<hbm>> -> memref<1x640xf32, #tpu.memory_space<hbm>>
      %dma_start3A_19 = tpu.memref_squeeze %dma_start3A : memref<1x640xf32, #tpu.memory_space<hbm>> -> memref<640xf32, #tpu.memory_space<hbm>>
      %dma_start3A_20 = tpu.memref_slice %arg8[%mul3A_16] : memref<10240xf32, #tpu.memory_space<vmem_shared>> -> memref<640xf32, #tpu.memory_space<vmem_shared>>
      tpu.enqueue_dma source(%dma_start3A_20 : memref<640xf32, #tpu.memory_space<vmem_shared>>) target(%dma_start3A_19 : memref<640xf32, #tpu.memory_space<hbm>>) target_semaphore(%run_scoped3A : memref<!tpu.dma_semaphore, #tpu.memory_space<semaphore_mem>>)
      %dma_wait3A = tpu.memref_slice %arg3[%arg0, %mul3A_18] : memref<2x10240xf32, #tpu.memory_space<hbm>> -> memref<1x640xf32, #tpu.memory_space<hbm>>
      %dma_wait3A_21 = tpu.memref_squeeze %dma_wait3A : memref<1x640xf32, #tpu.memory_space<hbm>> -> memref<640xf32, #tpu.memory_space<hbm>>
      %dma_wait3A_22 = tpu.memref_slice %arg8[%mul3A_16] : memref<10240xf32, #tpu.memory_space<vmem_shared>> -> memref<640xf32, #tpu.memory_space<vmem_shared>>
      tpu.wait_dma2 semaphore(%run_scoped3A : memref<!tpu.dma_semaphore, #tpu.memory_space<semaphore_mem>>) src(%dma_wait3A_22 : memref<640xf32, #tpu.memory_space<vmem_shared>>) dst(%dma_wait3A_21 : memref<640xf32, #tpu.memory_space<hbm>>)
      tpu.yield
    }) : () -> ()
    return
  }
}

#map = affine_map<(d0, d1) -> (0, 0)>
#map1 = affine_map<(d0, d1) -> (0)>
#map2 = affine_map<(d0, d1) -> (0, 0, 0)>
module attributes {stable_mosaic.version = 14 : i64} {
  func.func @k(%arg0: i32, %arg1: i32, %arg2: memref<10240x64xf32, #tpu.memory_space<hbm>>, %arg3: memref<10240xf32, #tpu.memory_space<hbm>>, %arg4: memref<32x79x128xi32, #tpu.memory_space<hbm>>, %arg5: memref<32x79x128xi32, #tpu.memory_space<hbm>>, %arg6: memref<2x10240x64xf32, #tpu.memory_space<hbm>>, %arg7: memref<2x10240xf32, #tpu.memory_space<hbm>>, %arg8: memref<79x128xi32, #tpu.memory_space<vmem>>, %arg9: memref<79x128xi32, #tpu.memory_space<vmem>>, %arg10: memref<10112xi32, #tpu.memory_space<vmem>>, %arg11: memref<1x128x64xf32, #tpu.memory_space<vmem>>, %arg12: memref<10112xf32, #tpu.memory_space<vmem>>, %arg13: memref<40x64xf32, #tpu.memory_space<vmem>>, %arg14: memref<640xf32, #tpu.memory_space<vmem>>, %arg15: memref<10240xf32, #tpu.memory_space<vmem>>, %arg16: memref<10240x64xf32, #tpu.memory_space<vmem_shared>>, %arg17: memref<10240xf32, #tpu.memory_space<vmem_shared>>) attributes {dimension_semantics = [#tpu.dimension_semantics<core_parallel>, #tpu.dimension_semantics<subcore_parallel>], iteration_bounds = array<i64: 2, 16>, scalar_prefetch = 0 : i64, scratch_operands = 10 : i64, tpu.core_type = #tpu.core_type<sc_vector_subcore>, window_params = [{transform_indices = #map}, {transform_indices = #map1}, {transform_indices = #map2}, {transform_indices = #map2}, {transform_indices = #map2}, {transform_indices = #map}]} {
    %mul3A = arith.constant 16 : i32
    %mul3A_0 = arith.muli %arg0, %mul3A : i32
    %add3A = arith.addi %mul3A_0, %arg1 : i32
    %scan3A = arith.constant 0 : i32
    %scan3A_1 = arith.constant 0 : i32
    %scan3A_2 = arith.constant 40 : i32
    %scan3A_3 = arith.addi %scan3A_1, %scan3A_2 : i32
    %scan3A_4 = arith.constant 1 : i32
    scf.for %scan3A_93 = %scan3A_1 to %scan3A_3 step %scan3A_4  : i32 {
      %broadcast_in_dim3A = arith.constant 0.000000e+00 : f32
      %broadcast_in_dim3A_94 = vector.broadcast %broadcast_in_dim3A : f32 to vector<16xf32>
      %swap3A = arith.index_cast %scan3A_93 : i32 to index
      %swap3A_95 = arith.constant 0 : index
      %swap3A_96 = tpu.vector_load %arg13[%swap3A, %swap3A_95] {strides = array<i32>} : memref<40x64xf32, #tpu.memory_space<vmem>>, vector<16xf32>,
      tpu.vector_store %arg13[%swap3A, %swap3A_95], %broadcast_in_dim3A_94 {strides = array<i32>} : memref<40x64xf32, #tpu.memory_space<vmem>>, vector<16xf32>,
      %broadcast_in_dim3A_97 = arith.constant 0.000000e+00 : f32
      %broadcast_in_dim3A_98 = vector.broadcast %broadcast_in_dim3A_97 : f32 to vector<16xf32>
      %swap3A_99 = arith.index_cast %scan3A_93 : i32 to index
      %swap3A_100 = arith.constant 16 : index
      %swap3A_101 = tpu.vector_load %arg13[%swap3A_99, %swap3A_100] {strides = array<i32>} : memref<40x64xf32, #tpu.memory_space<vmem>>, vector<16xf32>,
      tpu.vector_store %arg13[%swap3A_99, %swap3A_100], %broadcast_in_dim3A_98 {strides = array<i32>} : memref<40x64xf32, #tpu.memory_space<vmem>>, vector<16xf32>,
      %broadcast_in_dim3A_102 = arith.constant 0.000000e+00 : f32
      %broadcast_in_dim3A_103 = vector.broadcast %broadcast_in_dim3A_102 : f32 to vector<16xf32>
      %swap3A_104 = arith.index_cast %scan3A_93 : i32 to index
      %swap3A_105 = arith.constant 32 : index
      %swap3A_106 = tpu.vector_load %arg13[%swap3A_104, %swap3A_105] {strides = array<i32>} : memref<40x64xf32, #tpu.memory_space<vmem>>, vector<16xf32>,
      tpu.vector_store %arg13[%swap3A_104, %swap3A_105], %broadcast_in_dim3A_103 {strides = array<i32>} : memref<40x64xf32, #tpu.memory_space<vmem>>, vector<16xf32>,
      %broadcast_in_dim3A_107 = arith.constant 0.000000e+00 : f32
      %broadcast_in_dim3A_108 = vector.broadcast %broadcast_in_dim3A_107 : f32 to vector<16xf32>
      %swap3A_109 = arith.index_cast %scan3A_93 : i32 to index
      %swap3A_110 = arith.constant 48 : index
      %swap3A_111 = tpu.vector_load %arg13[%swap3A_109, %swap3A_110] {strides = array<i32>} : memref<40x64xf32, #tpu.memory_space<vmem>>, vector<16xf32>,
      tpu.vector_store %arg13[%swap3A_109, %swap3A_110], %broadcast_in_dim3A_108 {strides = array<i32>} : memref<40x64xf32, #tpu.memory_space<vmem>>, vector<16xf32>,
    }
    %scan3A_5 = arith.constant 40 : i32
    %scan3A_6 = arith.constant 0 : i32
    %scan3A_7 = arith.constant 0 : i32
    %scan3A_8 = arith.constant 40 : i32
    %scan3A_9 = arith.addi %scan3A_7, %scan3A_8 : i32
    %scan3A_10 = arith.constant 1 : i32
    scf.for %scan3A_93 = %scan3A_7 to %scan3A_9 step %scan3A_10  : i32 {
      %broadcast_in_dim3A = arith.constant 0.000000e+00 : f32
      %broadcast_in_dim3A_94 = vector.broadcast %broadcast_in_dim3A : f32 to vector<16xf32>
      %mul3A_95 = arith.constant 16 : i32
      %mul3A_96 = arith.muli %scan3A_93, %mul3A_95 : i32
      %swap3A = arith.index_cast %mul3A_96 : i32 to index
      %swap3A_97 = tpu.vector_load %arg14[%swap3A] {strides = array<i32>} : memref<640xf32, #tpu.memory_space<vmem>>, vector<16xf32>,
      tpu.vector_store %arg14[%swap3A], %broadcast_in_dim3A_94 {strides = array<i32>} : memref<640xf32, #tpu.memory_space<vmem>>, vector<16xf32>,
    }
    %scan3A_11 = arith.constant 40 : i32
    %mul3A_12 = arith.constant 640 : i32
    %mul3A_13 = arith.muli %arg1, %mul3A_12 : i32
    %add3A_14 = arith.constant 0 : i32
    %add3A_15 = arith.addi %mul3A_13, %add3A_14 : i32
    "tpu.region"() ({
      %run_scoped3A = tpu.sem_alloc : memref<!tpu.dma_semaphore, #tpu.memory_space<semaphore_mem>>
      %dma_start3A = arith.constant 0 : i32
      %dma_start3A_93 = tpu.memref_slice %arg16[%add3A_15, %dma_start3A] : memref<10240x64xf32, #tpu.memory_space<vmem_shared>> -> memref<40x64xf32, #tpu.memory_space<vmem_shared>>
      %dma_start3A_94 = arith.constant 0 : i32
      %dma_start3A_95 = tpu.memref_slice %arg16[%add3A_15, %dma_start3A_94] : memref<10240x64xf32, #tpu.memory_space<vmem_shared>> -> memref<40x64xf32, #tpu.memory_space<vmem_shared>>
      tpu.enqueue_dma source(%arg13 : memref<40x64xf32, #tpu.memory_space<vmem>>) target(%dma_start3A_95 : memref<40x64xf32, #tpu.memory_space<vmem_shared>>) target_semaphore(%run_scoped3A : memref<!tpu.dma_semaphore, #tpu.memory_space<semaphore_mem>>)
      %dma_wait3A = arith.constant 0 : i32
      %dma_wait3A_96 = tpu.memref_slice %arg16[%add3A_15, %dma_wait3A] : memref<10240x64xf32, #tpu.memory_space<vmem_shared>> -> memref<40x64xf32, #tpu.memory_space<vmem_shared>>
      %dma_wait3A_97 = arith.constant 0 : i32
      %dma_wait3A_98 = tpu.memref_slice %arg16[%add3A_15, %dma_wait3A_97] : memref<10240x64xf32, #tpu.memory_space<vmem_shared>> -> memref<40x64xf32, #tpu.memory_space<vmem_shared>>
      tpu.wait_dma2 semaphore(%run_scoped3A : memref<!tpu.dma_semaphore, #tpu.memory_space<semaphore_mem>>) src(%arg13 : memref<40x64xf32, #tpu.memory_space<vmem>>) dst(%dma_wait3A_98 : memref<40x64xf32, #tpu.memory_space<vmem_shared>>)
      tpu.yield
    }) : () -> ()
    %mul3A_16 = arith.constant 640 : i32
    %mul3A_17 = arith.muli %arg1, %mul3A_16 : i32
    %add3A_18 = arith.constant 40 : i32
    %add3A_19 = arith.addi %mul3A_17, %add3A_18 : i32
    "tpu.region"() ({
      %run_scoped3A = tpu.sem_alloc : memref<!tpu.dma_semaphore, #tpu.memory_space<semaphore_mem>>
      %dma_start3A = arith.constant 0 : i32
      %dma_start3A_93 = tpu.memref_slice %arg16[%add3A_19, %dma_start3A] : memref<10240x64xf32, #tpu.memory_space<vmem_shared>> -> memref<40x64xf32, #tpu.memory_space<vmem_shared>>
      %dma_start3A_94 = arith.constant 0 : i32
      %dma_start3A_95 = tpu.memref_slice %arg16[%add3A_19, %dma_start3A_94] : memref<10240x64xf32, #tpu.memory_space<vmem_shared>> -> memref<40x64xf32, #tpu.memory_space<vmem_shared>>
      tpu.enqueue_dma source(%arg13 : memref<40x64xf32, #tpu.memory_space<vmem>>) target(%dma_start3A_95 : memref<40x64xf32, #tpu.memory_space<vmem_shared>>) target_semaphore(%run_scoped3A : memref<!tpu.dma_semaphore, #tpu.memory_space<semaphore_mem>>)
      %dma_wait3A = arith.constant 0 : i32
      %dma_wait3A_96 = tpu.memref_slice %arg16[%add3A_19, %dma_wait3A] : memref<10240x64xf32, #tpu.memory_space<vmem_shared>> -> memref<40x64xf32, #tpu.memory_space<vmem_shared>>
      %dma_wait3A_97 = arith.constant 0 : i32
      %dma_wait3A_98 = tpu.memref_slice %arg16[%add3A_19, %dma_wait3A_97] : memref<10240x64xf32, #tpu.memory_space<vmem_shared>> -> memref<40x64xf32, #tpu.memory_space<vmem_shared>>
      tpu.wait_dma2 semaphore(%run_scoped3A : memref<!tpu.dma_semaphore, #tpu.memory_space<semaphore_mem>>) src(%arg13 : memref<40x64xf32, #tpu.memory_space<vmem>>) dst(%dma_wait3A_98 : memref<40x64xf32, #tpu.memory_space<vmem_shared>>)
      tpu.yield
    }) : () -> ()
    %mul3A_20 = arith.constant 640 : i32
    %mul3A_21 = arith.muli %arg1, %mul3A_20 : i32
    %add3A_22 = arith.constant 80 : i32
    %add3A_23 = arith.addi %mul3A_21, %add3A_22 : i32
    "tpu.region"() ({
      %run_scoped3A = tpu.sem_alloc : memref<!tpu.dma_semaphore, #tpu.memory_space<semaphore_mem>>
      %dma_start3A = arith.constant 0 : i32
      %dma_start3A_93 = tpu.memref_slice %arg16[%add3A_23, %dma_start3A] : memref<10240x64xf32, #tpu.memory_space<vmem_shared>> -> memref<40x64xf32, #tpu.memory_space<vmem_shared>>
      %dma_start3A_94 = arith.constant 0 : i32
      %dma_start3A_95 = tpu.memref_slice %arg16[%add3A_23, %dma_start3A_94] : memref<10240x64xf32, #tpu.memory_space<vmem_shared>> -> memref<40x64xf32, #tpu.memory_space<vmem_shared>>
      tpu.enqueue_dma source(%arg13 : memref<40x64xf32, #tpu.memory_space<vmem>>) target(%dma_start3A_95 : memref<40x64xf32, #tpu.memory_space<vmem_shared>>) target_semaphore(%run_scoped3A : memref<!tpu.dma_semaphore, #tpu.memory_space<semaphore_mem>>)
      %dma_wait3A = arith.constant 0 : i32
      %dma_wait3A_96 = tpu.memref_slice %arg16[%add3A_23, %dma_wait3A] : memref<10240x64xf32, #tpu.memory_space<vmem_shared>> -> memref<40x64xf32, #tpu.memory_space<vmem_shared>>
      %dma_wait3A_97 = arith.constant 0 : i32
      %dma_wait3A_98 = tpu.memref_slice %arg16[%add3A_23, %dma_wait3A_97] : memref<10240x64xf32, #tpu.memory_space<vmem_shared>> -> memref<40x64xf32, #tpu.memory_space<vmem_shared>>
      tpu.wait_dma2 semaphore(%run_scoped3A : memref<!tpu.dma_semaphore, #tpu.memory_space<semaphore_mem>>) src(%arg13 : memref<40x64xf32, #tpu.memory_space<vmem>>) dst(%dma_wait3A_98 : memref<40x64xf32, #tpu.memory_space<vmem_shared>>)
      tpu.yield
    }) : () -> ()
    %mul3A_24 = arith.constant 640 : i32
    %mul3A_25 = arith.muli %arg1, %mul3A_24 : i32
    %add3A_26 = arith.constant 120 : i32
    %add3A_27 = arith.addi %mul3A_25, %add3A_26 : i32
    "tpu.region"() ({
      %run_scoped3A = tpu.sem_alloc : memref<!tpu.dma_semaphore, #tpu.memory_space<semaphore_mem>>
      %dma_start3A = arith.constant 0 : i32
      %dma_start3A_93 = tpu.memref_slice %arg16[%add3A_27, %dma_start3A] : memref<10240x64xf32, #tpu.memory_space<vmem_shared>> -> memref<40x64xf32, #tpu.memory_space<vmem_shared>>
      %dma_start3A_94 = arith.constant 0 : i32
      %dma_start3A_95 = tpu.memref_slice %arg16[%add3A_27, %dma_start3A_94] : memref<10240x64xf32, #tpu.memory_space<vmem_shared>> -> memref<40x64xf32, #tpu.memory_space<vmem_shared>>
      tpu.enqueue_dma source(%arg13 : memref<40x64xf32, #tpu.memory_space<vmem>>) target(%dma_start3A_95 : memref<40x64xf32, #tpu.memory_space<vmem_shared>>) target_semaphore(%run_scoped3A : memref<!tpu.dma_semaphore, #tpu.memory_space<semaphore_mem>>)
      %dma_wait3A = arith.constant 0 : i32
      %dma_wait3A_96 = tpu.memref_slice %arg16[%add3A_27, %dma_wait3A] : memref<10240x64xf32, #tpu.memory_space<vmem_shared>> -> memref<40x64xf32, #tpu.memory_space<vmem_shared>>
      %dma_wait3A_97 = arith.constant 0 : i32
      %dma_wait3A_98 = tpu.memref_slice %arg16[%add3A_27, %dma_wait3A_97] : memref<10240x64xf32, #tpu.memory_space<vmem_shared>> -> memref<40x64xf32, #tpu.memory_space<vmem_shared>>
      tpu.wait_dma2 semaphore(%run_scoped3A : memref<!tpu.dma_semaphore, #tpu.memory_space<semaphore_mem>>) src(%arg13 : memref<40x64xf32, #tpu.memory_space<vmem>>) dst(%dma_wait3A_98 : memref<40x64xf32, #tpu.memory_space<vmem_shared>>)
      tpu.yield
    }) : () -> ()
    %mul3A_28 = arith.constant 640 : i32
    %mul3A_29 = arith.muli %arg1, %mul3A_28 : i32
    %add3A_30 = arith.constant 160 : i32
    %add3A_31 = arith.addi %mul3A_29, %add3A_30 : i32
    "tpu.region"() ({
      %run_scoped3A = tpu.sem_alloc : memref<!tpu.dma_semaphore, #tpu.memory_space<semaphore_mem>>
      %dma_start3A = arith.constant 0 : i32
      %dma_start3A_93 = tpu.memref_slice %arg16[%add3A_31, %dma_start3A] : memref<10240x64xf32, #tpu.memory_space<vmem_shared>> -> memref<40x64xf32, #tpu.memory_space<vmem_shared>>
      %dma_start3A_94 = arith.constant 0 : i32
      %dma_start3A_95 = tpu.memref_slice %arg16[%add3A_31, %dma_start3A_94] : memref<10240x64xf32, #tpu.memory_space<vmem_shared>> -> memref<40x64xf32, #tpu.memory_space<vmem_shared>>
      tpu.enqueue_dma source(%arg13 : memref<40x64xf32, #tpu.memory_space<vmem>>) target(%dma_start3A_95 : memref<40x64xf32, #tpu.memory_space<vmem_shared>>) target_semaphore(%run_scoped3A : memref<!tpu.dma_semaphore, #tpu.memory_space<semaphore_mem>>)
      %dma_wait3A = arith.constant 0 : i32
      %dma_wait3A_96 = tpu.memref_slice %arg16[%add3A_31, %dma_wait3A] : memref<10240x64xf32, #tpu.memory_space<vmem_shared>> -> memref<40x64xf32, #tpu.memory_space<vmem_shared>>
      %dma_wait3A_97 = arith.constant 0 : i32
      %dma_wait3A_98 = tpu.memref_slice %arg16[%add3A_31, %dma_wait3A_97] : memref<10240x64xf32, #tpu.memory_space<vmem_shared>> -> memref<40x64xf32, #tpu.memory_space<vmem_shared>>
      tpu.wait_dma2 semaphore(%run_scoped3A : memref<!tpu.dma_semaphore, #tpu.memory_space<semaphore_mem>>) src(%arg13 : memref<40x64xf32, #tpu.memory_space<vmem>>) dst(%dma_wait3A_98 : memref<40x64xf32, #tpu.memory_space<vmem_shared>>)
      tpu.yield
    }) : () -> ()
    %mul3A_32 = arith.constant 640 : i32
    %mul3A_33 = arith.muli %arg1, %mul3A_32 : i32
    %add3A_34 = arith.constant 200 : i32
    %add3A_35 = arith.addi %mul3A_33, %add3A_34 : i32
    "tpu.region"() ({
      %run_scoped3A = tpu.sem_alloc : memref<!tpu.dma_semaphore, #tpu.memory_space<semaphore_mem>>
      %dma_start3A = arith.constant 0 : i32
      %dma_start3A_93 = tpu.memref_slice %arg16[%add3A_35, %dma_start3A] : memref<10240x64xf32, #tpu.memory_space<vmem_shared>> -> memref<40x64xf32, #tpu.memory_space<vmem_shared>>
      %dma_start3A_94 = arith.constant 0 : i32
      %dma_start3A_95 = tpu.memref_slice %arg16[%add3A_35, %dma_start3A_94] : memref<10240x64xf32, #tpu.memory_space<vmem_shared>> -> memref<40x64xf32, #tpu.memory_space<vmem_shared>>
      tpu.enqueue_dma source(%arg13 : memref<40x64xf32, #tpu.memory_space<vmem>>) target(%dma_start3A_95 : memref<40x64xf32, #tpu.memory_space<vmem_shared>>) target_semaphore(%run_scoped3A : memref<!tpu.dma_semaphore, #tpu.memory_space<semaphore_mem>>)
      %dma_wait3A = arith.constant 0 : i32
      %dma_wait3A_96 = tpu.memref_slice %arg16[%add3A_35, %dma_wait3A] : memref<10240x64xf32, #tpu.memory_space<vmem_shared>> -> memref<40x64xf32, #tpu.memory_space<vmem_shared>>
      %dma_wait3A_97 = arith.constant 0 : i32
      %dma_wait3A_98 = tpu.memref_slice %arg16[%add3A_35, %dma_wait3A_97] : memref<10240x64xf32, #tpu.memory_space<vmem_shared>> -> memref<40x64xf32, #tpu.memory_space<vmem_shared>>
      tpu.wait_dma2 semaphore(%run_scoped3A : memref<!tpu.dma_semaphore, #tpu.memory_space<semaphore_mem>>) src(%arg13 : memref<40x64xf32, #tpu.memory_space<vmem>>) dst(%dma_wait3A_98 : memref<40x64xf32, #tpu.memory_space<vmem_shared>>)
      tpu.yield
    }) : () -> ()
    %mul3A_36 = arith.constant 640 : i32
    %mul3A_37 = arith.muli %arg1, %mul3A_36 : i32
    %add3A_38 = arith.constant 240 : i32
    %add3A_39 = arith.addi %mul3A_37, %add3A_38 : i32
    "tpu.region"() ({
      %run_scoped3A = tpu.sem_alloc : memref<!tpu.dma_semaphore, #tpu.memory_space<semaphore_mem>>
      %dma_start3A = arith.constant 0 : i32
      %dma_start3A_93 = tpu.memref_slice %arg16[%add3A_39, %dma_start3A] : memref<10240x64xf32, #tpu.memory_space<vmem_shared>> -> memref<40x64xf32, #tpu.memory_space<vmem_shared>>
      %dma_start3A_94 = arith.constant 0 : i32
      %dma_start3A_95 = tpu.memref_slice %arg16[%add3A_39, %dma_start3A_94] : memref<10240x64xf32, #tpu.memory_space<vmem_shared>> -> memref<40x64xf32, #tpu.memory_space<vmem_shared>>
      tpu.enqueue_dma source(%arg13 : memref<40x64xf32, #tpu.memory_space<vmem>>) target(%dma_start3A_95 : memref<40x64xf32, #tpu.memory_space<vmem_shared>>) target_semaphore(%run_scoped3A : memref<!tpu.dma_semaphore, #tpu.memory_space<semaphore_mem>>)
      %dma_wait3A = arith.constant 0 : i32
      %dma_wait3A_96 = tpu.memref_slice %arg16[%add3A_39, %dma_wait3A] : memref<10240x64xf32, #tpu.memory_space<vmem_shared>> -> memref<40x64xf32, #tpu.memory_space<vmem_shared>>
      %dma_wait3A_97 = arith.constant 0 : i32
      %dma_wait3A_98 = tpu.memref_slice %arg16[%add3A_39, %dma_wait3A_97] : memref<10240x64xf32, #tpu.memory_space<vmem_shared>> -> memref<40x64xf32, #tpu.memory_space<vmem_shared>>
      tpu.wait_dma2 semaphore(%run_scoped3A : memref<!tpu.dma_semaphore, #tpu.memory_space<semaphore_mem>>) src(%arg13 : memref<40x64xf32, #tpu.memory_space<vmem>>) dst(%dma_wait3A_98 : memref<40x64xf32, #tpu.memory_space<vmem_shared>>)
      tpu.yield
    }) : () -> ()
    %mul3A_40 = arith.constant 640 : i32
    %mul3A_41 = arith.muli %arg1, %mul3A_40 : i32
    %add3A_42 = arith.constant 280 : i32
    %add3A_43 = arith.addi %mul3A_41, %add3A_42 : i32
    "tpu.region"() ({
      %run_scoped3A = tpu.sem_alloc : memref<!tpu.dma_semaphore, #tpu.memory_space<semaphore_mem>>
      %dma_start3A = arith.constant 0 : i32
      %dma_start3A_93 = tpu.memref_slice %arg16[%add3A_43, %dma_start3A] : memref<10240x64xf32, #tpu.memory_space<vmem_shared>> -> memref<40x64xf32, #tpu.memory_space<vmem_shared>>
      %dma_start3A_94 = arith.constant 0 : i32
      %dma_start3A_95 = tpu.memref_slice %arg16[%add3A_43, %dma_start3A_94] : memref<10240x64xf32, #tpu.memory_space<vmem_shared>> -> memref<40x64xf32, #tpu.memory_space<vmem_shared>>
      tpu.enqueue_dma source(%arg13 : memref<40x64xf32, #tpu.memory_space<vmem>>) target(%dma_start3A_95 : memref<40x64xf32, #tpu.memory_space<vmem_shared>>) target_semaphore(%run_scoped3A : memref<!tpu.dma_semaphore, #tpu.memory_space<semaphore_mem>>)
      %dma_wait3A = arith.constant 0 : i32
      %dma_wait3A_96 = tpu.memref_slice %arg16[%add3A_43, %dma_wait3A] : memref<10240x64xf32, #tpu.memory_space<vmem_shared>> -> memref<40x64xf32, #tpu.memory_space<vmem_shared>>
      %dma_wait3A_97 = arith.constant 0 : i32
      %dma_wait3A_98 = tpu.memref_slice %arg16[%add3A_43, %dma_wait3A_97] : memref<10240x64xf32, #tpu.memory_space<vmem_shared>> -> memref<40x64xf32, #tpu.memory_space<vmem_shared>>
      tpu.wait_dma2 semaphore(%run_scoped3A : memref<!tpu.dma_semaphore, #tpu.memory_space<semaphore_mem>>) src(%arg13 : memref<40x64xf32, #tpu.memory_space<vmem>>) dst(%dma_wait3A_98 : memref<40x64xf32, #tpu.memory_space<vmem_shared>>)
      tpu.yield
    }) : () -> ()
    %mul3A_44 = arith.constant 640 : i32
    %mul3A_45 = arith.muli %arg1, %mul3A_44 : i32
    %add3A_46 = arith.constant 320 : i32
    %add3A_47 = arith.addi %mul3A_45, %add3A_46 : i32
    "tpu.region"() ({
      %run_scoped3A = tpu.sem_alloc : memref<!tpu.dma_semaphore, #tpu.memory_space<semaphore_mem>>
      %dma_start3A = arith.constant 0 : i32
      %dma_start3A_93 = tpu.memref_slice %arg16[%add3A_47, %dma_start3A] : memref<10240x64xf32, #tpu.memory_space<vmem_shared>> -> memref<40x64xf32, #tpu.memory_space<vmem_shared>>
      %dma_start3A_94 = arith.constant 0 : i32
      %dma_start3A_95 = tpu.memref_slice %arg16[%add3A_47, %dma_start3A_94] : memref<10240x64xf32, #tpu.memory_space<vmem_shared>> -> memref<40x64xf32, #tpu.memory_space<vmem_shared>>
      tpu.enqueue_dma source(%arg13 : memref<40x64xf32, #tpu.memory_space<vmem>>) target(%dma_start3A_95 : memref<40x64xf32, #tpu.memory_space<vmem_shared>>) target_semaphore(%run_scoped3A : memref<!tpu.dma_semaphore, #tpu.memory_space<semaphore_mem>>)
      %dma_wait3A = arith.constant 0 : i32
      %dma_wait3A_96 = tpu.memref_slice %arg16[%add3A_47, %dma_wait3A] : memref<10240x64xf32, #tpu.memory_space<vmem_shared>> -> memref<40x64xf32, #tpu.memory_space<vmem_shared>>
      %dma_wait3A_97 = arith.constant 0 : i32
      %dma_wait3A_98 = tpu.memref_slice %arg16[%add3A_47, %dma_wait3A_97] : memref<10240x64xf32, #tpu.memory_space<vmem_shared>> -> memref<40x64xf32, #tpu.memory_space<vmem_shared>>
      tpu.wait_dma2 semaphore(%run_scoped3A : memref<!tpu.dma_semaphore, #tpu.memory_space<semaphore_mem>>) src(%arg13 : memref<40x64xf32, #tpu.memory_space<vmem>>) dst(%dma_wait3A_98 : memref<40x64xf32, #tpu.memory_space<vmem_shared>>)
      tpu.yield
    }) : () -> ()
    %mul3A_48 = arith.constant 640 : i32
    %mul3A_49 = arith.muli %arg1, %mul3A_48 : i32
    %add3A_50 = arith.constant 360 : i32
    %add3A_51 = arith.addi %mul3A_49, %add3A_50 : i32
    "tpu.region"() ({
      %run_scoped3A = tpu.sem_alloc : memref<!tpu.dma_semaphore, #tpu.memory_space<semaphore_mem>>
      %dma_start3A = arith.constant 0 : i32
      %dma_start3A_93 = tpu.memref_slice %arg16[%add3A_51, %dma_start3A] : memref<10240x64xf32, #tpu.memory_space<vmem_shared>> -> memref<40x64xf32, #tpu.memory_space<vmem_shared>>
      %dma_start3A_94 = arith.constant 0 : i32
      %dma_start3A_95 = tpu.memref_slice %arg16[%add3A_51, %dma_start3A_94] : memref<10240x64xf32, #tpu.memory_space<vmem_shared>> -> memref<40x64xf32, #tpu.memory_space<vmem_shared>>
      tpu.enqueue_dma source(%arg13 : memref<40x64xf32, #tpu.memory_space<vmem>>) target(%dma_start3A_95 : memref<40x64xf32, #tpu.memory_space<vmem_shared>>) target_semaphore(%run_scoped3A : memref<!tpu.dma_semaphore, #tpu.memory_space<semaphore_mem>>)
      %dma_wait3A = arith.constant 0 : i32
      %dma_wait3A_96 = tpu.memref_slice %arg16[%add3A_51, %dma_wait3A] : memref<10240x64xf32, #tpu.memory_space<vmem_shared>> -> memref<40x64xf32, #tpu.memory_space<vmem_shared>>
      %dma_wait3A_97 = arith.constant 0 : i32
      %dma_wait3A_98 = tpu.memref_slice %arg16[%add3A_51, %dma_wait3A_97] : memref<10240x64xf32, #tpu.memory_space<vmem_shared>> -> memref<40x64xf32, #tpu.memory_space<vmem_shared>>
      tpu.wait_dma2 semaphore(%run_scoped3A : memref<!tpu.dma_semaphore, #tpu.memory_space<semaphore_mem>>) src(%arg13 : memref<40x64xf32, #tpu.memory_space<vmem>>) dst(%dma_wait3A_98 : memref<40x64xf32, #tpu.memory_space<vmem_shared>>)
      tpu.yield
    }) : () -> ()
    %mul3A_52 = arith.constant 640 : i32
    %mul3A_53 = arith.muli %arg1, %mul3A_52 : i32
    %add3A_54 = arith.constant 400 : i32
    %add3A_55 = arith.addi %mul3A_53, %add3A_54 : i32
    "tpu.region"() ({
      %run_scoped3A = tpu.sem_alloc : memref<!tpu.dma_semaphore, #tpu.memory_space<semaphore_mem>>
      %dma_start3A = arith.constant 0 : i32
      %dma_start3A_93 = tpu.memref_slice %arg16[%add3A_55, %dma_start3A] : memref<10240x64xf32, #tpu.memory_space<vmem_shared>> -> memref<40x64xf32, #tpu.memory_space<vmem_shared>>
      %dma_start3A_94 = arith.constant 0 : i32
      %dma_start3A_95 = tpu.memref_slice %arg16[%add3A_55, %dma_start3A_94] : memref<10240x64xf32, #tpu.memory_space<vmem_shared>> -> memref<40x64xf32, #tpu.memory_space<vmem_shared>>
      tpu.enqueue_dma source(%arg13 : memref<40x64xf32, #tpu.memory_space<vmem>>) target(%dma_start3A_95 : memref<40x64xf32, #tpu.memory_space<vmem_shared>>) target_semaphore(%run_scoped3A : memref<!tpu.dma_semaphore, #tpu.memory_space<semaphore_mem>>)
      %dma_wait3A = arith.constant 0 : i32
      %dma_wait3A_96 = tpu.memref_slice %arg16[%add3A_55, %dma_wait3A] : memref<10240x64xf32, #tpu.memory_space<vmem_shared>> -> memref<40x64xf32, #tpu.memory_space<vmem_shared>>
      %dma_wait3A_97 = arith.constant 0 : i32
      %dma_wait3A_98 = tpu.memref_slice %arg16[%add3A_55, %dma_wait3A_97] : memref<10240x64xf32, #tpu.memory_space<vmem_shared>> -> memref<40x64xf32, #tpu.memory_space<vmem_shared>>
      tpu.wait_dma2 semaphore(%run_scoped3A : memref<!tpu.dma_semaphore, #tpu.memory_space<semaphore_mem>>) src(%arg13 : memref<40x64xf32, #tpu.memory_space<vmem>>) dst(%dma_wait3A_98 : memref<40x64xf32, #tpu.memory_space<vmem_shared>>)
      tpu.yield
    }) : () -> ()
    %mul3A_56 = arith.constant 640 : i32
    %mul3A_57 = arith.muli %arg1, %mul3A_56 : i32
    %add3A_58 = arith.constant 440 : i32
    %add3A_59 = arith.addi %mul3A_57, %add3A_58 : i32
    "tpu.region"() ({
      %run_scoped3A = tpu.sem_alloc : memref<!tpu.dma_semaphore, #tpu.memory_space<semaphore_mem>>
      %dma_start3A = arith.constant 0 : i32
      %dma_start3A_93 = tpu.memref_slice %arg16[%add3A_59, %dma_start3A] : memref<10240x64xf32, #tpu.memory_space<vmem_shared>> -> memref<40x64xf32, #tpu.memory_space<vmem_shared>>
      %dma_start3A_94 = arith.constant 0 : i32
      %dma_start3A_95 = tpu.memref_slice %arg16[%add3A_59, %dma_start3A_94] : memref<10240x64xf32, #tpu.memory_space<vmem_shared>> -> memref<40x64xf32, #tpu.memory_space<vmem_shared>>
      tpu.enqueue_dma source(%arg13 : memref<40x64xf32, #tpu.memory_space<vmem>>) target(%dma_start3A_95 : memref<40x64xf32, #tpu.memory_space<vmem_shared>>) target_semaphore(%run_scoped3A : memref<!tpu.dma_semaphore, #tpu.memory_space<semaphore_mem>>)
      %dma_wait3A = arith.constant 0 : i32
      %dma_wait3A_96 = tpu.memref_slice %arg16[%add3A_59, %dma_wait3A] : memref<10240x64xf32, #tpu.memory_space<vmem_shared>> -> memref<40x64xf32, #tpu.memory_space<vmem_shared>>
      %dma_wait3A_97 = arith.constant 0 : i32
      %dma_wait3A_98 = tpu.memref_slice %arg16[%add3A_59, %dma_wait3A_97] : memref<10240x64xf32, #tpu.memory_space<vmem_shared>> -> memref<40x64xf32, #tpu.memory_space<vmem_shared>>
      tpu.wait_dma2 semaphore(%run_scoped3A : memref<!tpu.dma_semaphore, #tpu.memory_space<semaphore_mem>>) src(%arg13 : memref<40x64xf32, #tpu.memory_space<vmem>>) dst(%dma_wait3A_98 : memref<40x64xf32, #tpu.memory_space<vmem_shared>>)
      tpu.yield
    }) : () -> ()
    %mul3A_60 = arith.constant 640 : i32
    %mul3A_61 = arith.muli %arg1, %mul3A_60 : i32
    %add3A_62 = arith.constant 480 : i32
    %add3A_63 = arith.addi %mul3A_61, %add3A_62 : i32
    "tpu.region"() ({
      %run_scoped3A = tpu.sem_alloc : memref<!tpu.dma_semaphore, #tpu.memory_space<semaphore_mem>>
      %dma_start3A = arith.constant 0 : i32
      %dma_start3A_93 = tpu.memref_slice %arg16[%add3A_63, %dma_start3A] : memref<10240x64xf32, #tpu.memory_space<vmem_shared>> -> memref<40x64xf32, #tpu.memory_space<vmem_shared>>
      %dma_start3A_94 = arith.constant 0 : i32
      %dma_start3A_95 = tpu.memref_slice %arg16[%add3A_63, %dma_start3A_94] : memref<10240x64xf32, #tpu.memory_space<vmem_shared>> -> memref<40x64xf32, #tpu.memory_space<vmem_shared>>
      tpu.enqueue_dma source(%arg13 : memref<40x64xf32, #tpu.memory_space<vmem>>) target(%dma_start3A_95 : memref<40x64xf32, #tpu.memory_space<vmem_shared>>) target_semaphore(%run_scoped3A : memref<!tpu.dma_semaphore, #tpu.memory_space<semaphore_mem>>)
      %dma_wait3A = arith.constant 0 : i32
      %dma_wait3A_96 = tpu.memref_slice %arg16[%add3A_63, %dma_wait3A] : memref<10240x64xf32, #tpu.memory_space<vmem_shared>> -> memref<40x64xf32, #tpu.memory_space<vmem_shared>>
      %dma_wait3A_97 = arith.constant 0 : i32
      %dma_wait3A_98 = tpu.memref_slice %arg16[%add3A_63, %dma_wait3A_97] : memref<10240x64xf32, #tpu.memory_space<vmem_shared>> -> memref<40x64xf32, #tpu.memory_space<vmem_shared>>
      tpu.wait_dma2 semaphore(%run_scoped3A : memref<!tpu.dma_semaphore, #tpu.memory_space<semaphore_mem>>) src(%arg13 : memref<40x64xf32, #tpu.memory_space<vmem>>) dst(%dma_wait3A_98 : memref<40x64xf32, #tpu.memory_space<vmem_shared>>)
      tpu.yield
    }) : () -> ()
    %mul3A_64 = arith.constant 640 : i32
    %mul3A_65 = arith.muli %arg1, %mul3A_64 : i32
    %add3A_66 = arith.constant 520 : i32
    %add3A_67 = arith.addi %mul3A_65, %add3A_66 : i32
    "tpu.region"() ({
      %run_scoped3A = tpu.sem_alloc : memref<!tpu.dma_semaphore, #tpu.memory_space<semaphore_mem>>
      %dma_start3A = arith.constant 0 : i32
      %dma_start3A_93 = tpu.memref_slice %arg16[%add3A_67, %dma_start3A] : memref<10240x64xf32, #tpu.memory_space<vmem_shared>> -> memref<40x64xf32, #tpu.memory_space<vmem_shared>>
      %dma_start3A_94 = arith.constant 0 : i32
      %dma_start3A_95 = tpu.memref_slice %arg16[%add3A_67, %dma_start3A_94] : memref<10240x64xf32, #tpu.memory_space<vmem_shared>> -> memref<40x64xf32, #tpu.memory_space<vmem_shared>>
      tpu.enqueue_dma source(%arg13 : memref<40x64xf32, #tpu.memory_space<vmem>>) target(%dma_start3A_95 : memref<40x64xf32, #tpu.memory_space<vmem_shared>>) target_semaphore(%run_scoped3A : memref<!tpu.dma_semaphore, #tpu.memory_space<semaphore_mem>>)
      %dma_wait3A = arith.constant 0 : i32
      %dma_wait3A_96 = tpu.memref_slice %arg16[%add3A_67, %dma_wait3A] : memref<10240x64xf32, #tpu.memory_space<vmem_shared>> -> memref<40x64xf32, #tpu.memory_space<vmem_shared>>
      %dma_wait3A_97 = arith.constant 0 : i32
      %dma_wait3A_98 = tpu.memref_slice %arg16[%add3A_67, %dma_wait3A_97] : memref<10240x64xf32, #tpu.memory_space<vmem_shared>> -> memref<40x64xf32, #tpu.memory_space<vmem_shared>>
      tpu.wait_dma2 semaphore(%run_scoped3A : memref<!tpu.dma_semaphore, #tpu.memory_space<semaphore_mem>>) src(%arg13 : memref<40x64xf32, #tpu.memory_space<vmem>>) dst(%dma_wait3A_98 : memref<40x64xf32, #tpu.memory_space<vmem_shared>>)
      tpu.yield
    }) : () -> ()
    %mul3A_68 = arith.constant 640 : i32
    %mul3A_69 = arith.muli %arg1, %mul3A_68 : i32
    %add3A_70 = arith.constant 560 : i32
    %add3A_71 = arith.addi %mul3A_69, %add3A_70 : i32
    "tpu.region"() ({
      %run_scoped3A = tpu.sem_alloc : memref<!tpu.dma_semaphore, #tpu.memory_space<semaphore_mem>>
      %dma_start3A = arith.constant 0 : i32
      %dma_start3A_93 = tpu.memref_slice %arg16[%add3A_71, %dma_start3A] : memref<10240x64xf32, #tpu.memory_space<vmem_shared>> -> memref<40x64xf32, #tpu.memory_space<vmem_shared>>
      %dma_start3A_94 = arith.constant 0 : i32
      %dma_start3A_95 = tpu.memref_slice %arg16[%add3A_71, %dma_start3A_94] : memref<10240x64xf32, #tpu.memory_space<vmem_shared>> -> memref<40x64xf32, #tpu.memory_space<vmem_shared>>
      tpu.enqueue_dma source(%arg13 : memref<40x64xf32, #tpu.memory_space<vmem>>) target(%dma_start3A_95 : memref<40x64xf32, #tpu.memory_space<vmem_shared>>) target_semaphore(%run_scoped3A : memref<!tpu.dma_semaphore, #tpu.memory_space<semaphore_mem>>)
      %dma_wait3A = arith.constant 0 : i32
      %dma_wait3A_96 = tpu.memref_slice %arg16[%add3A_71, %dma_wait3A] : memref<10240x64xf32, #tpu.memory_space<vmem_shared>> -> memref<40x64xf32, #tpu.memory_space<vmem_shared>>
      %dma_wait3A_97 = arith.constant 0 : i32
      %dma_wait3A_98 = tpu.memref_slice %arg16[%add3A_71, %dma_wait3A_97] : memref<10240x64xf32, #tpu.memory_space<vmem_shared>> -> memref<40x64xf32, #tpu.memory_space<vmem_shared>>
      tpu.wait_dma2 semaphore(%run_scoped3A : memref<!tpu.dma_semaphore, #tpu.memory_space<semaphore_mem>>) src(%arg13 : memref<40x64xf32, #tpu.memory_space<vmem>>) dst(%dma_wait3A_98 : memref<40x64xf32, #tpu.memory_space<vmem_shared>>)
      tpu.yield
    }) : () -> ()
    %mul3A_72 = arith.constant 640 : i32
    %mul3A_73 = arith.muli %arg1, %mul3A_72 : i32
    %add3A_74 = arith.constant 600 : i32
    %add3A_75 = arith.addi %mul3A_73, %add3A_74 : i32
    "tpu.region"() ({
      %run_scoped3A = tpu.sem_alloc : memref<!tpu.dma_semaphore, #tpu.memory_space<semaphore_mem>>
      %dma_start3A = arith.constant 0 : i32
      %dma_start3A_93 = tpu.memref_slice %arg16[%add3A_75, %dma_start3A] : memref<10240x64xf32, #tpu.memory_space<vmem_shared>> -> memref<40x64xf32, #tpu.memory_space<vmem_shared>>
      %dma_start3A_94 = arith.constant 0 : i32
      %dma_start3A_95 = tpu.memref_slice %arg16[%add3A_75, %dma_start3A_94] : memref<10240x64xf32, #tpu.memory_space<vmem_shared>> -> memref<40x64xf32, #tpu.memory_space<vmem_shared>>
      tpu.enqueue_dma source(%arg13 : memref<40x64xf32, #tpu.memory_space<vmem>>) target(%dma_start3A_95 : memref<40x64xf32, #tpu.memory_space<vmem_shared>>) target_semaphore(%run_scoped3A : memref<!tpu.dma_semaphore, #tpu.memory_space<semaphore_mem>>)
      %dma_wait3A = arith.constant 0 : i32
      %dma_wait3A_96 = tpu.memref_slice %arg16[%add3A_75, %dma_wait3A] : memref<10240x64xf32, #tpu.memory_space<vmem_shared>> -> memref<40x64xf32, #tpu.memory_space<vmem_shared>>
      %dma_wait3A_97 = arith.constant 0 : i32
      %dma_wait3A_98 = tpu.memref_slice %arg16[%add3A_75, %dma_wait3A_97] : memref<10240x64xf32, #tpu.memory_space<vmem_shared>> -> memref<40x64xf32, #tpu.memory_space<vmem_shared>>
      tpu.wait_dma2 semaphore(%run_scoped3A : memref<!tpu.dma_semaphore, #tpu.memory_space<semaphore_mem>>) src(%arg13 : memref<40x64xf32, #tpu.memory_space<vmem>>) dst(%dma_wait3A_98 : memref<40x64xf32, #tpu.memory_space<vmem_shared>>)
      tpu.yield
    }) : () -> ()
    %mul3A_76 = arith.constant 640 : i32
    %mul3A_77 = arith.muli %arg1, %mul3A_76 : i32
    "tpu.region"() ({
      %run_scoped3A = tpu.sem_alloc : memref<!tpu.dma_semaphore, #tpu.memory_space<semaphore_mem>>
      %dma_start3A = tpu.memref_slice %arg17[%mul3A_77] : memref<10240xf32, #tpu.memory_space<vmem_shared>> -> memref<640xf32, #tpu.memory_space<vmem_shared>>
      %dma_start3A_93 = tpu.memref_slice %arg17[%mul3A_77] : memref<10240xf32, #tpu.memory_space<vmem_shared>> -> memref<640xf32, #tpu.memory_space<vmem_shared>>
      tpu.enqueue_dma source(%arg14 : memref<640xf32, #tpu.memory_space<vmem>>) target(%dma_start3A_93 : memref<640xf32, #tpu.memory_space<vmem_shared>>) target_semaphore(%run_scoped3A : memref<!tpu.dma_semaphore, #tpu.memory_space<semaphore_mem>>)
      %dma_wait3A = tpu.memref_slice %arg17[%mul3A_77] : memref<10240xf32, #tpu.memory_space<vmem_shared>> -> memref<640xf32, #tpu.memory_space<vmem_shared>>
      %dma_wait3A_94 = tpu.memref_slice %arg17[%mul3A_77] : memref<10240xf32, #tpu.memory_space<vmem_shared>> -> memref<640xf32, #tpu.memory_space<vmem_shared>>
      tpu.wait_dma2 semaphore(%run_scoped3A : memref<!tpu.dma_semaphore, #tpu.memory_space<semaphore_mem>>) src(%arg14 : memref<640xf32, #tpu.memory_space<vmem>>) dst(%dma_wait3A_94 : memref<640xf32, #tpu.memory_space<vmem_shared>>)
      tpu.yield
    }) : () -> ()
    "tpu.region"() ({
      %run_scoped3A = tpu.sem_alloc : memref<!tpu.dma_semaphore, #tpu.memory_space<semaphore_mem>>
      %dma_start3A = arith.constant 0 : i32
      %dma_start3A_93 = arith.constant 0 : i32
      %dma_start3A_94 = tpu.memref_slice %arg4[%add3A, %dma_start3A, %dma_start3A_93] : memref<32x79x128xi32, #tpu.memory_space<hbm>> -> memref<1x79x128xi32, #tpu.memory_space<hbm>>
      %dma_start3A_95 = tpu.memref_squeeze %dma_start3A_94 : memref<1x79x128xi32, #tpu.memory_space<hbm>> -> memref<79x128xi32, #tpu.memory_space<hbm>>
      %dma_start3A_96 = arith.constant 0 : i32
      %dma_start3A_97 = arith.constant 0 : i32
      %dma_start3A_98 = tpu.memref_slice %arg4[%add3A, %dma_start3A_96, %dma_start3A_97] : memref<32x79x128xi32, #tpu.memory_space<hbm>> -> memref<1x79x128xi32, #tpu.memory_space<hbm>>
      %dma_start3A_99 = tpu.memref_squeeze %dma_start3A_98 : memref<1x79x128xi32, #tpu.memory_space<hbm>> -> memref<79x128xi32, #tpu.memory_space<hbm>>
      tpu.enqueue_dma source(%dma_start3A_99 : memref<79x128xi32, #tpu.memory_space<hbm>>) target(%arg8 : memref<79x128xi32, #tpu.memory_space<vmem>>) target_semaphore(%run_scoped3A : memref<!tpu.dma_semaphore, #tpu.memory_space<semaphore_mem>>)
      %dma_wait3A = arith.constant 0 : i32
      %dma_wait3A_100 = arith.constant 0 : i32
      %dma_wait3A_101 = tpu.memref_slice %arg4[%add3A, %dma_wait3A, %dma_wait3A_100] : memref<32x79x128xi32, #tpu.memory_space<hbm>> -> memref<1x79x128xi32, #tpu.memory_space<hbm>>
      %dma_wait3A_102 = tpu.memref_squeeze %dma_wait3A_101 : memref<1x79x128xi32, #tpu.memory_space<hbm>> -> memref<79x128xi32, #tpu.memory_space<hbm>>
      %dma_wait3A_103 = arith.constant 0 : i32
      %dma_wait3A_104 = arith.constant 0 : i32
      %dma_wait3A_105 = tpu.memref_slice %arg4[%add3A, %dma_wait3A_103, %dma_wait3A_104] : memref<32x79x128xi32, #tpu.memory_space<hbm>> -> memref<1x79x128xi32, #tpu.memory_space<hbm>>
      %dma_wait3A_106 = tpu.memref_squeeze %dma_wait3A_105 : memref<1x79x128xi32, #tpu.memory_space<hbm>> -> memref<79x128xi32, #tpu.memory_space<hbm>>
      tpu.wait_dma2 semaphore(%run_scoped3A : memref<!tpu.dma_semaphore, #tpu.memory_space<semaphore_mem>>) src(%dma_wait3A_106 : memref<79x128xi32, #tpu.memory_space<hbm>>) dst(%arg8 : memref<79x128xi32, #tpu.memory_space<vmem>>)
      tpu.yield
    }) : () -> ()
    "tpu.region"() ({
      %run_scoped3A = tpu.sem_alloc : memref<!tpu.dma_semaphore, #tpu.memory_space<semaphore_mem>>
      %dma_start3A = arith.constant 0 : i32
      %dma_start3A_93 = arith.constant 0 : i32
      %dma_start3A_94 = tpu.memref_slice %arg5[%add3A, %dma_start3A, %dma_start3A_93] : memref<32x79x128xi32, #tpu.memory_space<hbm>> -> memref<1x79x128xi32, #tpu.memory_space<hbm>>
      %dma_start3A_95 = tpu.memref_squeeze %dma_start3A_94 : memref<1x79x128xi32, #tpu.memory_space<hbm>> -> memref<79x128xi32, #tpu.memory_space<hbm>>
      %dma_start3A_96 = arith.constant 0 : i32
      %dma_start3A_97 = arith.constant 0 : i32
      %dma_start3A_98 = tpu.memref_slice %arg5[%add3A, %dma_start3A_96, %dma_start3A_97] : memref<32x79x128xi32, #tpu.memory_space<hbm>> -> memref<1x79x128xi32, #tpu.memory_space<hbm>>
      %dma_start3A_99 = tpu.memref_squeeze %dma_start3A_98 : memref<1x79x128xi32, #tpu.memory_space<hbm>> -> memref<79x128xi32, #tpu.memory_space<hbm>>
      tpu.enqueue_dma source(%dma_start3A_99 : memref<79x128xi32, #tpu.memory_space<hbm>>) target(%arg9 : memref<79x128xi32, #tpu.memory_space<vmem>>) target_semaphore(%run_scoped3A : memref<!tpu.dma_semaphore, #tpu.memory_space<semaphore_mem>>)
      %dma_wait3A = arith.constant 0 : i32
      %dma_wait3A_100 = arith.constant 0 : i32
      %dma_wait3A_101 = tpu.memref_slice %arg5[%add3A, %dma_wait3A, %dma_wait3A_100] : memref<32x79x128xi32, #tpu.memory_space<hbm>> -> memref<1x79x128xi32, #tpu.memory_space<hbm>>
      %dma_wait3A_102 = tpu.memref_squeeze %dma_wait3A_101 : memref<1x79x128xi32, #tpu.memory_space<hbm>> -> memref<79x128xi32, #tpu.memory_space<hbm>>
      %dma_wait3A_103 = arith.constant 0 : i32
      %dma_wait3A_104 = arith.constant 0 : i32
      %dma_wait3A_105 = tpu.memref_slice %arg5[%add3A, %dma_wait3A_103, %dma_wait3A_104] : memref<32x79x128xi32, #tpu.memory_space<hbm>> -> memref<1x79x128xi32, #tpu.memory_space<hbm>>
      %dma_wait3A_106 = tpu.memref_squeeze %dma_wait3A_105 : memref<1x79x128xi32, #tpu.memory_space<hbm>> -> memref<79x128xi32, #tpu.memory_space<hbm>>
      tpu.wait_dma2 semaphore(%run_scoped3A : memref<!tpu.dma_semaphore, #tpu.memory_space<semaphore_mem>>) src(%dma_wait3A_106 : memref<79x128xi32, #tpu.memory_space<hbm>>) dst(%arg9 : memref<79x128xi32, #tpu.memory_space<vmem>>)
      tpu.yield
    }) : () -> ()
    "tpu.region"() ({
      %run_scoped3A = tpu.sem_alloc : memref<!tpu.dma_semaphore, #tpu.memory_space<semaphore_mem>>
      tpu.enqueue_dma source(%arg3 : memref<10240xf32, #tpu.memory_space<hbm>>) target(%arg15 : memref<10240xf32, #tpu.memory_space<vmem>>) target_semaphore(%run_scoped3A : memref<!tpu.dma_semaphore, #tpu.memory_space<semaphore_mem>>)
      tpu.wait_dma2 semaphore(%run_scoped3A : memref<!tpu.dma_semaphore, #tpu.memory_space<semaphore_mem>>) src(%arg3 : memref<10240xf32, #tpu.memory_space<hbm>>) dst(%arg15 : memref<10240xf32, #tpu.memory_space<vmem>>)
      tpu.yield
    }) : () -> ()
    %barrier3A = arith.constant 0 : index
    tpu.barrier barrier_id(%barrier3A)
    %scan3A_78 = arith.constant 0 : i32
    %scan3A_79 = arith.constant 0 : i32
    %scan3A_80 = arith.constant 79 : i32
    %scan3A_81 = arith.addi %scan3A_79, %scan3A_80 : i32
    %scan3A_82 = arith.constant 1 : i32
    scf.for %scan3A_93 = %scan3A_79 to %scan3A_81 step %scan3A_82  : i32 {
      %run_scoped3A = arith.constant 0 : i32
      "tpu.region"() ({
        %run_scoped3A_212 = tpu.sem_alloc : memref<!tpu.dma_semaphore, #tpu.memory_space<semaphore_mem>>
        %dma_start3A = arith.constant 0 : i32
        %dma_start3A_213 = arith.constant 0 : i32
        %dma_start3A_214 = tpu.memref_slice %arg11[%run_scoped3A, %dma_start3A, %dma_start3A_213] : memref<1x128x64xf32, #tpu.memory_space<vmem>> -> memref<1x128x64xf32, #tpu.memory_space<vmem>>
        %dma_start3A_215 = tpu.memref_squeeze %dma_start3A_214 : memref<1x128x64xf32, #tpu.memory_space<vmem>> -> memref<128x64xf32, #tpu.memory_space<vmem>>
        %dma_start3A_216 = arith.constant 0 : i32
        %dma_start3A_217 = tpu.memref_slice %arg8[%scan3A_93, %dma_start3A_216] : memref<79x128xi32, #tpu.memory_space<vmem>> -> memref<1x128xi32, #tpu.memory_space<vmem>>
        %dma_start3A_218 = tpu.memref_squeeze %dma_start3A_217 : memref<1x128xi32, #tpu.memory_space<vmem>> -> memref<128xi32, #tpu.memory_space<vmem>>
        %dma_start3A_219 = arith.constant 0 : i32
        %dma_start3A_220 = arith.constant 0 : i32
        %dma_start3A_221 = tpu.memref_slice %arg2[%dma_start3A_219, %dma_start3A_220] : memref<10240x64xf32, #tpu.memory_space<hbm>> -> memref<10240x64xf32, #tpu.memory_space<hbm>>
        tpu.enqueue_indirect_dma source(%dma_start3A_221 : memref<10240x64xf32, #tpu.memory_space<hbm>>) target(%dma_start3A_215 : memref<128x64xf32, #tpu.memory_space<vmem>>) offsets(%dma_start3A_218 : memref<128xi32, #tpu.memory_space<vmem>>) semaphore(%run_scoped3A_212 : memref<!tpu.dma_semaphore, #tpu.memory_space<semaphore_mem>>)
        %dma_wait3A = arith.constant 0 : i32
        %dma_wait3A_222 = arith.constant 0 : i32
        %dma_wait3A_223 = tpu.memref_slice %arg11[%run_scoped3A, %dma_wait3A, %dma_wait3A_222] : memref<1x128x64xf32, #tpu.memory_space<vmem>> -> memref<1x128x64xf32, #tpu.memory_space<vmem>>
        %dma_wait3A_224 = tpu.memref_squeeze %dma_wait3A_223 : memref<1x128x64xf32, #tpu.memory_space<vmem>> -> memref<128x64xf32, #tpu.memory_space<vmem>>
        %dma_wait3A_225 = arith.constant 0 : i32
        %dma_wait3A_226 = tpu.memref_slice %arg8[%scan3A_93, %dma_wait3A_225] : memref<79x128xi32, #tpu.memory_space<vmem>> -> memref<1x128xi32, #tpu.memory_space<vmem>>
        %dma_wait3A_227 = tpu.memref_squeeze %dma_wait3A_226 : memref<1x128xi32, #tpu.memory_space<vmem>> -> memref<128xi32, #tpu.memory_space<vmem>>
        %dma_wait3A_228 = arith.constant 0 : i32
        %dma_wait3A_229 = arith.constant 0 : i32
        %dma_wait3A_230 = tpu.memref_slice %arg2[%dma_wait3A_228, %dma_wait3A_229] : memref<10240x64xf32, #tpu.memory_space<hbm>> -> memref<10240x64xf32, #tpu.memory_space<hbm>>
        tpu.wait_indirect_dma semaphore(%run_scoped3A_212 : memref<!tpu.dma_semaphore, #tpu.memory_space<semaphore_mem>>) src(%dma_wait3A_230 : memref<10240x64xf32, #tpu.memory_space<hbm>>) dst(%dma_wait3A_224 : memref<128x64xf32, #tpu.memory_space<vmem>>)
        tpu.yield
      }) : () -> ()
      %run_scoped3A_94 = arith.constant 0 : i32
      "tpu.region"() ({
        %run_scoped3A_212 = tpu.sem_alloc : memref<!tpu.dma_semaphore, #tpu.memory_space<semaphore_mem>>
        %dma_start3A = arith.constant 0 : i32
        %dma_start3A_213 = arith.constant 0 : i32
        %dma_start3A_214 = tpu.memref_slice %arg11[%run_scoped3A_94, %dma_start3A, %dma_start3A_213] : memref<1x128x64xf32, #tpu.memory_space<vmem>> -> memref<1x128x64xf32, #tpu.memory_space<vmem>>
        %dma_start3A_215 = tpu.memref_squeeze %dma_start3A_214 : memref<1x128x64xf32, #tpu.memory_space<vmem>> -> memref<128x64xf32, #tpu.memory_space<vmem>>
        %dma_start3A_216 = arith.constant 0 : i32
        %dma_start3A_217 = tpu.memref_slice %arg9[%scan3A_93, %dma_start3A_216] : memref<79x128xi32, #tpu.memory_space<vmem>> -> memref<1x128xi32, #tpu.memory_space<vmem>>
        %dma_start3A_218 = tpu.memref_squeeze %dma_start3A_217 : memref<1x128xi32, #tpu.memory_space<vmem>> -> memref<128xi32, #tpu.memory_space<vmem>>
        %dma_start3A_219 = arith.constant 0 : i32
        %dma_start3A_220 = arith.constant 0 : i32
        %dma_start3A_221 = tpu.memref_slice %arg16[%dma_start3A_219, %dma_start3A_220] : memref<10240x64xf32, #tpu.memory_space<vmem_shared>> -> memref<10240x64xf32, #tpu.memory_space<vmem_shared>>
        tpu.enqueue_indirect_dma source(%dma_start3A_215 : memref<128x64xf32, #tpu.memory_space<vmem>>) target(%dma_start3A_221 : memref<10240x64xf32, #tpu.memory_space<vmem_shared>>) offsets(%dma_start3A_218 : memref<128xi32, #tpu.memory_space<vmem>>) semaphore(%run_scoped3A_212 : memref<!tpu.dma_semaphore, #tpu.memory_space<semaphore_mem>>) {add = true}
        %dma_wait3A = arith.constant 0 : i32
        %dma_wait3A_222 = arith.constant 0 : i32
        %dma_wait3A_223 = tpu.memref_slice %arg11[%run_scoped3A_94, %dma_wait3A, %dma_wait3A_222] : memref<1x128x64xf32, #tpu.memory_space<vmem>> -> memref<1x128x64xf32, #tpu.memory_space<vmem>>
        %dma_wait3A_224 = tpu.memref_squeeze %dma_wait3A_223 : memref<1x128x64xf32, #tpu.memory_space<vmem>> -> memref<128x64xf32, #tpu.memory_space<vmem>>
        %dma_wait3A_225 = arith.constant 0 : i32
        %dma_wait3A_226 = tpu.memref_slice %arg9[%scan3A_93, %dma_wait3A_225] : memref<79x128xi32, #tpu.memory_space<vmem>> -> memref<1x128xi32, #tpu.memory_space<vmem>>
        %dma_wait3A_227 = tpu.memref_squeeze %dma_wait3A_226 : memref<1x128xi32, #tpu.memory_space<vmem>> -> memref<128xi32, #tpu.memory_space<vmem>>
        %dma_wait3A_228 = arith.constant 0 : i32
        %dma_wait3A_229 = arith.constant 0 : i32
        %dma_wait3A_230 = tpu.memref_slice %arg16[%dma_wait3A_228, %dma_wait3A_229] : memref<10240x64xf32, #tpu.memory_space<vmem_shared>> -> memref<10240x64xf32, #tpu.memory_space<vmem_shared>>
        tpu.wait_indirect_dma semaphore(%run_scoped3A_212 : memref<!tpu.dma_semaphore, #tpu.memory_space<semaphore_mem>>) src(%dma_wait3A_224 : memref<128x64xf32, #tpu.memory_space<vmem>>) dst(%dma_wait3A_230 : memref<10240x64xf32, #tpu.memory_space<vmem_shared>>)
        tpu.yield
      }) : () -> ()
      %mul3A_95 = arith.constant 128 : i32
      %mul3A_96 = arith.muli %scan3A_93, %mul3A_95 : i32
      %add3A_97 = arith.constant 0 : i32
      %add3A_98 = arith.addi %mul3A_96, %add3A_97 : i32
      %get3A = arith.index_cast %scan3A_93 : i32 to index
      %get3A_99 = arith.constant 0 : index
      %get3A_100 = tpu.vector_load %arg9[%get3A, %get3A_99] {strides = array<i32>} : memref<79x128xi32, #tpu.memory_space<vmem>>, vector<16xi32>,
      %gather3A = tpu.vector_load_idx %arg15[%get3A_100] : memref<10240xf32, #tpu.memory_space<vmem>>[vector<16xi32>], vector<16xf32>,
      %swap3A = arith.index_cast %add3A_98 : i32 to index
      %swap3A_101 = tpu.vector_load %arg12[%swap3A] {strides = array<i32>} : memref<10112xf32, #tpu.memory_space<vmem>>, vector<16xf32>,
      tpu.vector_store %arg12[%swap3A], %gather3A {strides = array<i32>} : memref<10112xf32, #tpu.memory_space<vmem>>, vector<16xf32>,
      %get3A_102 = arith.index_cast %scan3A_93 : i32 to index
      %get3A_103 = arith.constant 0 : index
      %get3A_104 = tpu.vector_load %arg8[%get3A_102, %get3A_103] {strides = array<i32>} : memref<79x128xi32, #tpu.memory_space<vmem>>, vector<16xi32>,
      %swap3A_105 = arith.index_cast %add3A_98 : i32 to index
      %swap3A_106 = tpu.vector_load %arg10[%swap3A_105] {strides = array<i32>} : memref<10112xi32, #tpu.memory_space<vmem>>, vector<16xi32>,
      tpu.vector_store %arg10[%swap3A_105], %get3A_104 {strides = array<i32>} : memref<10112xi32, #tpu.memory_space<vmem>>, vector<16xi32>,
      %mul3A_107 = arith.constant 128 : i32
      %mul3A_108 = arith.muli %scan3A_93, %mul3A_107 : i32
      %add3A_109 = arith.constant 16 : i32
      %add3A_110 = arith.addi %mul3A_108, %add3A_109 : i32
      %get3A_111 = arith.index_cast %scan3A_93 : i32 to index
      %get3A_112 = arith.constant 16 : index
      %get3A_113 = tpu.vector_load %arg9[%get3A_111, %get3A_112] {strides = array<i32>} : memref<79x128xi32, #tpu.memory_space<vmem>>, vector<16xi32>,
      %gather3A_114 = tpu.vector_load_idx %arg15[%get3A_113] : memref<10240xf32, #tpu.memory_space<vmem>>[vector<16xi32>], vector<16xf32>,
      %swap3A_115 = arith.index_cast %add3A_110 : i32 to index
      %swap3A_116 = tpu.vector_load %arg12[%swap3A_115] {strides = array<i32>} : memref<10112xf32, #tpu.memory_space<vmem>>, vector<16xf32>,
      tpu.vector_store %arg12[%swap3A_115], %gather3A_114 {strides = array<i32>} : memref<10112xf32, #tpu.memory_space<vmem>>, vector<16xf32>,
      %get3A_117 = arith.index_cast %scan3A_93 : i32 to index
      %get3A_118 = arith.constant 16 : index
      %get3A_119 = tpu.vector_load %arg8[%get3A_117, %get3A_118] {strides = array<i32>} : memref<79x128xi32, #tpu.memory_space<vmem>>, vector<16xi32>,
      %swap3A_120 = arith.index_cast %add3A_110 : i32 to index
      %swap3A_121 = tpu.vector_load %arg10[%swap3A_120] {strides = array<i32>} : memref<10112xi32, #tpu.memory_space<vmem>>, vector<16xi32>,
      tpu.vector_store %arg10[%swap3A_120], %get3A_119 {strides = array<i32>} : memref<10112xi32, #tpu.memory_space<vmem>>, vector<16xi32>,
      %mul3A_122 = arith.constant 128 : i32
      %mul3A_123 = arith.muli %scan3A_93, %mul3A_122 : i32
      %add3A_124 = arith.constant 32 : i32
      %add3A_125 = arith.addi %mul3A_123, %add3A_124 : i32
      %get3A_126 = arith.index_cast %scan3A_93 : i32 to index
      %get3A_127 = arith.constant 32 : index
      %get3A_128 = tpu.vector_load %arg9[%get3A_126, %get3A_127] {strides = array<i32>} : memref<79x128xi32, #tpu.memory_space<vmem>>, vector<16xi32>,
      %gather3A_129 = tpu.vector_load_idx %arg15[%get3A_128] : memref<10240xf32, #tpu.memory_space<vmem>>[vector<16xi32>], vector<16xf32>,
      %swap3A_130 = arith.index_cast %add3A_125 : i32 to index
      %swap3A_131 = tpu.vector_load %arg12[%swap3A_130] {strides = array<i32>} : memref<10112xf32, #tpu.memory_space<vmem>>, vector<16xf32>,
      tpu.vector_store %arg12[%swap3A_130], %gather3A_129 {strides = array<i32>} : memref<10112xf32, #tpu.memory_space<vmem>>, vector<16xf32>,
      %get3A_132 = arith.index_cast %scan3A_93 : i32 to index
      %get3A_133 = arith.constant 32 : index
      %get3A_134 = tpu.vector_load %arg8[%get3A_132, %get3A_133] {strides = array<i32>} : memref<79x128xi32, #tpu.memory_space<vmem>>, vector<16xi32>,
      %swap3A_135 = arith.index_cast %add3A_125 : i32 to index
      %swap3A_136 = tpu.vector_load %arg10[%swap3A_135] {strides = array<i32>} : memref<10112xi32, #tpu.memory_space<vmem>>, vector<16xi32>,
      tpu.vector_store %arg10[%swap3A_135], %get3A_134 {strides = array<i32>} : memref<10112xi32, #tpu.memory_space<vmem>>, vector<16xi32>,
      %mul3A_137 = arith.constant 128 : i32
      %mul3A_138 = arith.muli %scan3A_93, %mul3A_137 : i32
      %add3A_139 = arith.constant 48 : i32
      %add3A_140 = arith.addi %mul3A_138, %add3A_139 : i32
      %get3A_141 = arith.index_cast %scan3A_93 : i32 to index
      %get3A_142 = arith.constant 48 : index
      %get3A_143 = tpu.vector_load %arg9[%get3A_141, %get3A_142] {strides = array<i32>} : memref<79x128xi32, #tpu.memory_space<vmem>>, vector<16xi32>,
      %gather3A_144 = tpu.vector_load_idx %arg15[%get3A_143] : memref<10240xf32, #tpu.memory_space<vmem>>[vector<16xi32>], vector<16xf32>,
      %swap3A_145 = arith.index_cast %add3A_140 : i32 to index
      %swap3A_146 = tpu.vector_load %arg12[%swap3A_145] {strides = array<i32>} : memref<10112xf32, #tpu.memory_space<vmem>>, vector<16xf32>,
      tpu.vector_store %arg12[%swap3A_145], %gather3A_144 {strides = array<i32>} : memref<10112xf32, #tpu.memory_space<vmem>>, vector<16xf32>,
      %get3A_147 = arith.index_cast %scan3A_93 : i32 to index
      %get3A_148 = arith.constant 48 : index
      %get3A_149 = tpu.vector_load %arg8[%get3A_147, %get3A_148] {strides = array<i32>} : memref<79x128xi32, #tpu.memory_space<vmem>>, vector<16xi32>,
      %swap3A_150 = arith.index_cast %add3A_140 : i32 to index
      %swap3A_151 = tpu.vector_load %arg10[%swap3A_150] {strides = array<i32>} : memref<10112xi32, #tpu.memory_space<vmem>>, vector<16xi32>,
      tpu.vector_store %arg10[%swap3A_150], %get3A_149 {strides = array<i32>} : memref<10112xi32, #tpu.memory_space<vmem>>, vector<16xi32>,
      %mul3A_152 = arith.constant 128 : i32
      %mul3A_153 = arith.muli %scan3A_93, %mul3A_152 : i32
      %add3A_154 = arith.constant 64 : i32
      %add3A_155 = arith.addi %mul3A_153, %add3A_154 : i32
      %get3A_156 = arith.index_cast %scan3A_93 : i32 to index
      %get3A_157 = arith.constant 64 : index
      %get3A_158 = tpu.vector_load %arg9[%get3A_156, %get3A_157] {strides = array<i32>} : memref<79x128xi32, #tpu.memory_space<vmem>>, vector<16xi32>,
      %gather3A_159 = tpu.vector_load_idx %arg15[%get3A_158] : memref<10240xf32, #tpu.memory_space<vmem>>[vector<16xi32>], vector<16xf32>,
      %swap3A_160 = arith.index_cast %add3A_155 : i32 to index
      %swap3A_161 = tpu.vector_load %arg12[%swap3A_160] {strides = array<i32>} : memref<10112xf32, #tpu.memory_space<vmem>>, vector<16xf32>,
      tpu.vector_store %arg12[%swap3A_160], %gather3A_159 {strides = array<i32>} : memref<10112xf32, #tpu.memory_space<vmem>>, vector<16xf32>,
      %get3A_162 = arith.index_cast %scan3A_93 : i32 to index
      %get3A_163 = arith.constant 64 : index
      %get3A_164 = tpu.vector_load %arg8[%get3A_162, %get3A_163] {strides = array<i32>} : memref<79x128xi32, #tpu.memory_space<vmem>>, vector<16xi32>,
      %swap3A_165 = arith.index_cast %add3A_155 : i32 to index
      %swap3A_166 = tpu.vector_load %arg10[%swap3A_165] {strides = array<i32>} : memref<10112xi32, #tpu.memory_space<vmem>>, vector<16xi32>,
      tpu.vector_store %arg10[%swap3A_165], %get3A_164 {strides = array<i32>} : memref<10112xi32, #tpu.memory_space<vmem>>, vector<16xi32>,
      %mul3A_167 = arith.constant 128 : i32
      %mul3A_168 = arith.muli %scan3A_93, %mul3A_167 : i32
      %add3A_169 = arith.constant 80 : i32
      %add3A_170 = arith.addi %mul3A_168, %add3A_169 : i32
      %get3A_171 = arith.index_cast %scan3A_93 : i32 to index
      %get3A_172 = arith.constant 80 : index
      %get3A_173 = tpu.vector_load %arg9[%get3A_171, %get3A_172] {strides = array<i32>} : memref<79x128xi32, #tpu.memory_space<vmem>>, vector<16xi32>,
      %gather3A_174 = tpu.vector_load_idx %arg15[%get3A_173] : memref<10240xf32, #tpu.memory_space<vmem>>[vector<16xi32>], vector<16xf32>,
      %swap3A_175 = arith.index_cast %add3A_170 : i32 to index
      %swap3A_176 = tpu.vector_load %arg12[%swap3A_175] {strides = array<i32>} : memref<10112xf32, #tpu.memory_space<vmem>>, vector<16xf32>,
      tpu.vector_store %arg12[%swap3A_175], %gather3A_174 {strides = array<i32>} : memref<10112xf32, #tpu.memory_space<vmem>>, vector<16xf32>,
      %get3A_177 = arith.index_cast %scan3A_93 : i32 to index
      %get3A_178 = arith.constant 80 : index
      %get3A_179 = tpu.vector_load %arg8[%get3A_177, %get3A_178] {strides = array<i32>} : memref<79x128xi32, #tpu.memory_space<vmem>>, vector<16xi32>,
      %swap3A_180 = arith.index_cast %add3A_170 : i32 to index
      %swap3A_181 = tpu.vector_load %arg10[%swap3A_180] {strides = array<i32>} : memref<10112xi32, #tpu.memory_space<vmem>>, vector<16xi32>,
      tpu.vector_store %arg10[%swap3A_180], %get3A_179 {strides = array<i32>} : memref<10112xi32, #tpu.memory_space<vmem>>, vector<16xi32>,
      %mul3A_182 = arith.constant 128 : i32
      %mul3A_183 = arith.muli %scan3A_93, %mul3A_182 : i32
      %add3A_184 = arith.constant 96 : i32
      %add3A_185 = arith.addi %mul3A_183, %add3A_184 : i32
      %get3A_186 = arith.index_cast %scan3A_93 : i32 to index
      %get3A_187 = arith.constant 96 : index
      %get3A_188 = tpu.vector_load %arg9[%get3A_186, %get3A_187] {strides = array<i32>} : memref<79x128xi32, #tpu.memory_space<vmem>>, vector<16xi32>,
      %gather3A_189 = tpu.vector_load_idx %arg15[%get3A_188] : memref<10240xf32, #tpu.memory_space<vmem>>[vector<16xi32>], vector<16xf32>,
      %swap3A_190 = arith.index_cast %add3A_185 : i32 to index
      %swap3A_191 = tpu.vector_load %arg12[%swap3A_190] {strides = array<i32>} : memref<10112xf32, #tpu.memory_space<vmem>>, vector<16xf32>,
      tpu.vector_store %arg12[%swap3A_190], %gather3A_189 {strides = array<i32>} : memref<10112xf32, #tpu.memory_space<vmem>>, vector<16xf32>,
      %get3A_192 = arith.index_cast %scan3A_93 : i32 to index
      %get3A_193 = arith.constant 96 : index
      %get3A_194 = tpu.vector_load %arg8[%get3A_192, %get3A_193] {strides = array<i32>} : memref<79x128xi32, #tpu.memory_space<vmem>>, vector<16xi32>,
      %swap3A_195 = arith.index_cast %add3A_185 : i32 to index
      %swap3A_196 = tpu.vector_load %arg10[%swap3A_195] {strides = array<i32>} : memref<10112xi32, #tpu.memory_space<vmem>>, vector<16xi32>,
      tpu.vector_store %arg10[%swap3A_195], %get3A_194 {strides = array<i32>} : memref<10112xi32, #tpu.memory_space<vmem>>, vector<16xi32>,
      %mul3A_197 = arith.constant 128 : i32
      %mul3A_198 = arith.muli %scan3A_93, %mul3A_197 : i32
      %add3A_199 = arith.constant 112 : i32
      %add3A_200 = arith.addi %mul3A_198, %add3A_199 : i32
      %get3A_201 = arith.index_cast %scan3A_93 : i32 to index
      %get3A_202 = arith.constant 112 : index
      %get3A_203 = tpu.vector_load %arg9[%get3A_201, %get3A_202] {strides = array<i32>} : memref<79x128xi32, #tpu.memory_space<vmem>>, vector<16xi32>,
      %gather3A_204 = tpu.vector_load_idx %arg15[%get3A_203] : memref<10240xf32, #tpu.memory_space<vmem>>[vector<16xi32>], vector<16xf32>,
      %swap3A_205 = arith.index_cast %add3A_200 : i32 to index
      %swap3A_206 = tpu.vector_load %arg12[%swap3A_205] {strides = array<i32>} : memref<10112xf32, #tpu.memory_space<vmem>>, vector<16xf32>,
      tpu.vector_store %arg12[%swap3A_205], %gather3A_204 {strides = array<i32>} : memref<10112xf32, #tpu.memory_space<vmem>>, vector<16xf32>,
      %get3A_207 = arith.index_cast %scan3A_93 : i32 to index
      %get3A_208 = arith.constant 112 : index
      %get3A_209 = tpu.vector_load %arg8[%get3A_207, %get3A_208] {strides = array<i32>} : memref<79x128xi32, #tpu.memory_space<vmem>>, vector<16xi32>,
      %swap3A_210 = arith.index_cast %add3A_200 : i32 to index
      %swap3A_211 = tpu.vector_load %arg10[%swap3A_210] {strides = array<i32>} : memref<10112xi32, #tpu.memory_space<vmem>>, vector<16xi32>,
      tpu.vector_store %arg10[%swap3A_210], %get3A_209 {strides = array<i32>} : memref<10112xi32, #tpu.memory_space<vmem>>, vector<16xi32>,
    }
    %scan3A_83 = arith.constant 79 : i32
    "tpu.region"() ({
      %run_scoped3A = tpu.sem_alloc : memref<!tpu.dma_semaphore, #tpu.memory_space<semaphore_mem>>
      %dma_start3A = arith.constant 0 : i32
      %dma_start3A_93 = tpu.memref_slice %arg17[%dma_start3A] : memref<10240xf32, #tpu.memory_space<vmem_shared>> -> memref<10240xf32, #tpu.memory_space<vmem_shared>>
      tpu.enqueue_indirect_dma source(%arg12 : memref<10112xf32, #tpu.memory_space<vmem>>) target(%dma_start3A_93 : memref<10240xf32, #tpu.memory_space<vmem_shared>>) offsets(%arg10 : memref<10112xi32, #tpu.memory_space<vmem>>) semaphore(%run_scoped3A : memref<!tpu.dma_semaphore, #tpu.memory_space<semaphore_mem>>) {add = true}
      %dma_wait3A = arith.constant 0 : i32
      %dma_wait3A_94 = tpu.memref_slice %arg17[%dma_wait3A] : memref<10240xf32, #tpu.memory_space<vmem_shared>> -> memref<10240xf32, #tpu.memory_space<vmem_shared>>
      tpu.wait_indirect_dma semaphore(%run_scoped3A : memref<!tpu.dma_semaphore, #tpu.memory_space<semaphore_mem>>) src(%arg12 : memref<10112xf32, #tpu.memory_space<vmem>>) dst(%dma_wait3A_94 : memref<10240xf32, #tpu.memory_space<vmem_shared>>)
      tpu.yield
    }) : () -> ()
    %barrier3A_84 = arith.constant 0 : index
    tpu.barrier barrier_id(%barrier3A_84)
    %mul3A_85 = arith.constant 640 : i32
    %mul3A_86 = arith.muli %arg1, %mul3A_85 : i32
    %mul3A_87 = arith.constant 640 : i32
    %mul3A_88 = arith.muli %arg1, %mul3A_87 : i32
    "tpu.region"() ({
      %run_scoped3A = tpu.sem_alloc : memref<!tpu.dma_semaphore, #tpu.memory_space<semaphore_mem>>
      %dma_start3A = arith.constant 0 : i32
      %dma_start3A_93 = tpu.memref_slice %arg6[%arg0, %mul3A_88, %dma_start3A] : memref<2x10240x64xf32, #tpu.memory_space<hbm>> -> memref<1x640x64xf32, #tpu.memory_space<hbm>>
      %dma_start3A_94 = tpu.memref_squeeze %dma_start3A_93 : memref<1x640x64xf32, #tpu.memory_space<hbm>> -> memref<640x64xf32, #tpu.memory_space<hbm>>
      %dma_start3A_95 = arith.constant 0 : i32
      %dma_start3A_96 = tpu.memref_slice %arg16[%mul3A_86, %dma_start3A_95] : memref<10240x64xf32, #tpu.memory_space<vmem_shared>> -> memref<640x64xf32, #tpu.memory_space<vmem_shared>>
      tpu.enqueue_dma source(%dma_start3A_96 : memref<640x64xf32, #tpu.memory_space<vmem_shared>>) target(%dma_start3A_94 : memref<640x64xf32, #tpu.memory_space<hbm>>) target_semaphore(%run_scoped3A : memref<!tpu.dma_semaphore, #tpu.memory_space<semaphore_mem>>)
      %dma_wait3A = arith.constant 0 : i32
      %dma_wait3A_97 = tpu.memref_slice %arg6[%arg0, %mul3A_88, %dma_wait3A] : memref<2x10240x64xf32, #tpu.memory_space<hbm>> -> memref<1x640x64xf32, #tpu.memory_space<hbm>>
      %dma_wait3A_98 = tpu.memref_squeeze %dma_wait3A_97 : memref<1x640x64xf32, #tpu.memory_space<hbm>> -> memref<640x64xf32, #tpu.memory_space<hbm>>
      %dma_wait3A_99 = arith.constant 0 : i32
      %dma_wait3A_100 = tpu.memref_slice %arg16[%mul3A_86, %dma_wait3A_99] : memref<10240x64xf32, #tpu.memory_space<vmem_shared>> -> memref<640x64xf32, #tpu.memory_space<vmem_shared>>
      tpu.wait_dma2 semaphore(%run_scoped3A : memref<!tpu.dma_semaphore, #tpu.memory_space<semaphore_mem>>) src(%dma_wait3A_100 : memref<640x64xf32, #tpu.memory_space<vmem_shared>>) dst(%dma_wait3A_98 : memref<640x64xf32, #tpu.memory_space<hbm>>)
      tpu.yield
    }) : () -> ()
    %mul3A_89 = arith.constant 640 : i32
    %mul3A_90 = arith.muli %arg1, %mul3A_89 : i32
    %mul3A_91 = arith.constant 640 : i32
    %mul3A_92 = arith.muli %arg1, %mul3A_91 : i32
    "tpu.region"() ({
      %run_scoped3A = tpu.sem_alloc : memref<!tpu.dma_semaphore, #tpu.memory_space<semaphore_mem>>
      %dma_start3A = tpu.memref_slice %arg7[%arg0, %mul3A_92] : memref<2x10240xf32, #tpu.memory_space<hbm>> -> memref<1x640xf32, #tpu.memory_space<hbm>>
      %dma_start3A_93 = tpu.memref_squeeze %dma_start3A : memref<1x640xf32, #tpu.memory_space<hbm>> -> memref<640xf32, #tpu.memory_space<hbm>>
      %dma_start3A_94 = tpu.memref_slice %arg17[%mul3A_90] : memref<10240xf32, #tpu.memory_space<vmem_shared>> -> memref<640xf32, #tpu.memory_space<vmem_shared>>
      tpu.enqueue_dma source(%dma_start3A_94 : memref<640xf32, #tpu.memory_space<vmem_shared>>) target(%dma_start3A_93 : memref<640xf32, #tpu.memory_space<hbm>>) target_semaphore(%run_scoped3A : memref<!tpu.dma_semaphore, #tpu.memory_space<semaphore_mem>>)
      %dma_wait3A = tpu.memref_slice %arg7[%arg0, %mul3A_92] : memref<2x10240xf32, #tpu.memory_space<hbm>> -> memref<1x640xf32, #tpu.memory_space<hbm>>
      %dma_wait3A_95 = tpu.memref_squeeze %dma_wait3A : memref<1x640xf32, #tpu.memory_space<hbm>> -> memref<640xf32, #tpu.memory_space<hbm>>
      %dma_wait3A_96 = tpu.memref_slice %arg17[%mul3A_90] : memref<10240xf32, #tpu.memory_space<vmem_shared>> -> memref<640xf32, #tpu.memory_space<vmem_shared>>
      tpu.wait_dma2 semaphore(%run_scoped3A : memref<!tpu.dma_semaphore, #tpu.memory_space<semaphore_mem>>) src(%dma_wait3A_96 : memref<640xf32, #tpu.memory_space<vmem_shared>>) dst(%dma_wait3A_95 : memref<640xf32, #tpu.memory_space<hbm>>)
      tpu.yield
    }) : () -> ()
    return
  }
}

module attributes {stable_mosaic.version = 14 : i64} {
  func.func @body(%arg0: i32, %arg1: memref<512x128xf32, #tpu.memory_space<vmem>>, %arg2: memref<128x64xf32, #tpu.memory_space<vmem>>, %arg3: memref<512xf32, #tpu.memory_space<vmem>>, %arg4: memref<512xf32, #tpu.memory_space<vmem>>, %arg5: memref<512x64xf32, #tpu.memory_space<vmem>>, %arg6: memref<512xf32, #tpu.memory_space<vmem>>) attributes {dimension_semantics = [#tpu.dimension_semantics<arbitrary>], iteration_bounds = array<i64: 20>, scalar_prefetch = 0 : i64, scratch_operands = 0 : i64, tpu.core_type = #tpu.core_type<tc>, window_params = [{transform_indices = @transform_0, window_bounds = array<i64: 512, 128>}, {pipeline_mode = #tpu.pipeline_mode<synchronous>, transform_indices = @transform_1, window_bounds = array<i64: 128, 64>}, {transform_indices = @transform_2, window_bounds = array<i64: 512>}, {transform_indices = @transform_3, window_bounds = array<i64: 512>}, {transform_indices = @transform_4, window_bounds = array<i64: 512, 64>}, {transform_indices = @transform_5, window_bounds = array<i64: 512>}]} {
    %get3A = arith.constant 0 : index
    %get3A_0 = vector.load %arg3[%get3A] : memref<512xf32, #tpu.memory_space<vmem>>, vector<512xf32>
    %get3A_1 = arith.constant 0 : index
    %get3A_2 = vector.load %arg4[%get3A_1] : memref<512xf32, #tpu.memory_space<vmem>>, vector<512xf32>
    %add3A = arith.addf %get3A_0, %get3A_2 : vector<512xf32>
    %add3A_3 = arith.constant 1.000000e+00 : f32
    %add3A_4 = vector.broadcast %add3A_3 : f32 to vector<512xf32>
    %add3A_5 = arith.addf %add3A, %add3A_4 : vector<512xf32>
    %sqrt3A = math.sqrt %add3A_5 : vector<512xf32>
    %div3A = arith.constant 1.000000e+00 : f32
    %div3A_6 = vector.broadcast %div3A : f32 to vector<512xf32>
    %div3A_7 = arith.divf %div3A_6, %sqrt3A : vector<512xf32>
    %get3A_8 = arith.constant 0 : index
    %get3A_9 = arith.constant 0 : index
    %get3A_10 = vector.load %arg1[%get3A_8, %get3A_9] : memref<512x128xf32, #tpu.memory_space<vmem>>, vector<512x128xf32>
    %get3A_11 = arith.constant 0 : index
    %get3A_12 = arith.constant 0 : index
    %get3A_13 = vector.load %arg2[%get3A_11, %get3A_12] : memref<128x64xf32, #tpu.memory_space<vmem>>, vector<128x64xf32>
    %dot_general3A = arith.constant dense<0.000000e+00> : vector<512x64xf32>
    %dot_general3A_14 = tpu.matmul %get3A_10, %get3A_13, %dot_general3A {dimension_numbers = #tpu.dot_dimension_numbers<[1], [0], [0], [1], [0, 0, 1, 1], [], []>, transpose_lhs_hint = false} : vector<512x128xf32>, vector<128x64xf32>, vector<512x64xf32> -> vector<512x64xf32>
    %broadcast_in_dim3A = vector.shape_cast %div3A_7 : vector<512xf32> to vector<512x1xf32>
    %mul3A = vector.broadcast %broadcast_in_dim3A : vector<512x1xf32> to vector<512x64xf32>
    %mul3A_15 = arith.mulf %dot_general3A_14, %mul3A : vector<512x64xf32>
    %swap3A = arith.constant 0 : index
    %swap3A_16 = arith.constant 0 : index
    %swap3A_17 = vector.load %arg5[%swap3A, %swap3A_16] : memref<512x64xf32, #tpu.memory_space<vmem>>, vector<512x64xf32>
    tpu.vector_store %arg5[%swap3A, %swap3A_16], %mul3A_15 {strides = array<i32>} : memref<512x64xf32, #tpu.memory_space<vmem>>, vector<512x64xf32>,
    %swap3A_18 = arith.constant 0 : index
    %swap3A_19 = vector.load %arg6[%swap3A_18] : memref<512xf32, #tpu.memory_space<vmem>>, vector<512xf32>
    tpu.vector_store %arg6[%swap3A_18], %div3A_7 {strides = array<i32>} : memref<512xf32, #tpu.memory_space<vmem>>, vector<512xf32>,
    return
  }
  func.func @transform_0(%arg0: i32) -> (i32, i32) {
    %c0_i32 = arith.constant 0 : i32
    %c0_i32_0 = arith.constant 0 : i32
    return %arg0, %c0_i32 : i32, i32
  }
  func.func @transform_1(%arg0: i32) -> (i32, i32) {
    %c0_i32 = arith.constant 0 : i32
    %c0_i32_0 = arith.constant 0 : i32
    %c0_i32_1 = arith.constant 0 : i32
    return %c0_i32, %c0_i32_0 : i32, i32
  }
  func.func @transform_2(%arg0: i32) -> i32 {
    %c0_i32 = arith.constant 0 : i32
    return %arg0 : i32
  }
  func.func @transform_3(%arg0: i32) -> i32 {
    %c0_i32 = arith.constant 0 : i32
    return %arg0 : i32
  }
  func.func @transform_4(%arg0: i32) -> (i32, i32) {
    %c0_i32 = arith.constant 0 : i32
    %c0_i32_0 = arith.constant 0 : i32
    return %arg0, %c0_i32 : i32, i32
  }
  func.func @transform_5(%arg0: i32) -> i32 {
    %c0_i32 = arith.constant 0 : i32
    return %arg0 : i32
  }
}

module attributes {stable_mosaic.version = 14 : i64} {
  func.func @body(%arg0: i32, %arg1: memref<512x64xf32, #tpu.memory_space<vmem>>, %arg2: memref<512x64xf32, #tpu.memory_space<vmem>>, %arg3: memref<512x64xf32, #tpu.memory_space<vmem>>, %arg4: memref<512xf32, #tpu.memory_space<vmem>>, %arg5: memref<512xf32, #tpu.memory_space<vmem>>, %arg6: memref<512xf32, #tpu.memory_space<vmem>>, %arg7: memref<512xf32, #tpu.memory_space<vmem>>, %arg8: memref<64x128xf32, #tpu.memory_space<vmem>>, %arg9: memref<1x64xf32, #tpu.memory_space<vmem>>, %arg10: memref<1x1xf32, #tpu.memory_space<vmem>>, %arg11: memref<1x1xf32, #tpu.memory_space<vmem>>, %arg12: memref<1x1xf32, #tpu.memory_space<vmem>>) attributes {dimension_semantics = [#tpu.dimension_semantics<arbitrary>], iteration_bounds = array<i64: 20>, scalar_prefetch = 0 : i64, scratch_operands = 1 : i64, tpu.core_type = #tpu.core_type<tc>, window_params = [{transform_indices = @transform_0, window_bounds = array<i64: 512, 64>}, {transform_indices = @transform_1, window_bounds = array<i64: 512, 64>}, {transform_indices = @transform_2, window_bounds = array<i64: 512, 64>}, {transform_indices = @transform_3, window_bounds = array<i64: 512>}, {transform_indices = @transform_4, window_bounds = array<i64: 512>}, {transform_indices = @transform_5, window_bounds = array<i64: 512>}, {transform_indices = @transform_6, window_bounds = array<i64: 512>}, {pipeline_mode = #tpu.pipeline_mode<synchronous>, transform_indices = @transform_7, window_bounds = array<i64: 64, 128>}, {pipeline_mode = #tpu.pipeline_mode<synchronous>, transform_indices = @transform_8, window_bounds = array<i64: 1, 64>}, {pipeline_mode = #tpu.pipeline_mode<synchronous>, transform_indices = @transform_9, window_bounds = array<i64: 1, 1>}, {pipeline_mode = #tpu.pipeline_mode<synchronous>, transform_indices = @transform_10, window_bounds = array<i64: 1, 1>}]} {
    %get3A = arith.constant 0 : index
    %get3A_0 = vector.load %arg4[%get3A] : memref<512xf32, #tpu.memory_space<vmem>>, vector<512xf32>
    %broadcast_in_dim3A = vector.shape_cast %get3A_0 : vector<512xf32> to vector<512x1xf32>
    %get3A_1 = arith.constant 0 : index
    %get3A_2 = arith.constant 0 : index
    %get3A_3 = vector.load %arg1[%get3A_1, %get3A_2] : memref<512x64xf32, #tpu.memory_space<vmem>>, vector<512x64xf32>
    %get3A_4 = arith.constant 0 : index
    %get3A_5 = arith.constant 0 : index
    %get3A_6 = vector.load %arg2[%get3A_4, %get3A_5] : memref<512x64xf32, #tpu.memory_space<vmem>>, vector<512x64xf32>
    %add3A = arith.addf %get3A_3, %get3A_6 : vector<512x64xf32>
    %get3A_7 = arith.constant 0 : index
    %get3A_8 = arith.constant 0 : index
    %get3A_9 = vector.load %arg3[%get3A_7, %get3A_8] : memref<512x64xf32, #tpu.memory_space<vmem>>, vector<512x64xf32>
    %add3A_10 = arith.addf %add3A, %get3A_9 : vector<512x64xf32>
    %mul3A = vector.broadcast %broadcast_in_dim3A : vector<512x1xf32> to vector<512x64xf32>
    %mul3A_11 = arith.mulf %mul3A, %add3A_10 : vector<512x64xf32>
    %get3A_12 = arith.constant 0 : index
    %get3A_13 = arith.constant 0 : index
    %get3A_14 = vector.load %arg9[%get3A_12, %get3A_13] : memref<1x64xf32, #tpu.memory_space<vmem>>, vector<1x64xf32>
    %add3A_15 = vector.broadcast %get3A_14 : vector<1x64xf32> to vector<512x64xf32>
    %add3A_16 = arith.addf %mul3A_11, %add3A_15 : vector<512x64xf32>
    %max3A = arith.constant 0.000000e+00 : f32
    %max3A_17 = vector.broadcast %max3A : f32 to vector<512x64xf32>
    %max3A_18 = arith.maximumf %add3A_16, %max3A_17 : vector<512x64xf32>
    %get3A_19 = arith.constant 0 : index
    %get3A_20 = arith.constant 0 : index
    %get3A_21 = vector.load %arg8[%get3A_19, %get3A_20] : memref<64x128xf32, #tpu.memory_space<vmem>>, vector<64x128xf32>
    %dot_general3A = arith.constant dense<0.000000e+00> : vector<512x128xf32>
    %dot_general3A_22 = tpu.matmul %max3A_18, %get3A_21, %dot_general3A {dimension_numbers = #tpu.dot_dimension_numbers<[1], [0], [0], [1], [0, 0, 1, 1], [], []>, transpose_lhs_hint = false} : vector<512x64xf32>, vector<64x128xf32>, vector<512x128xf32> -> vector<512x128xf32>
    %slice3A = vector.extract_strided_slice %dot_general3A_22 {offsets = [0, 0], sizes = [512, 1], strides = [1, 1]} : vector<512x128xf32> to vector<512x1xf32>
    %squeeze3A = vector.shape_cast %slice3A : vector<512x1xf32> to vector<512xf32>
    %get3A_23 = arith.constant 0 : index
    %get3A_24 = vector.load %arg5[%get3A_23] : memref<512xf32, #tpu.memory_space<vmem>>, vector<512xf32>
    %get3A_25 = arith.constant 0 : index
    %get3A_26 = vector.load %arg6[%get3A_25] : memref<512xf32, #tpu.memory_space<vmem>>, vector<512xf32>
    %add3A_27 = arith.addf %get3A_24, %get3A_26 : vector<512xf32>
    %add3A_28 = arith.addf %add3A_27, %get3A_0 : vector<512xf32>
    %get3A_29 = arith.constant 0 : index
    %get3A_30 = vector.load %arg7[%get3A_29] : memref<512xf32, #tpu.memory_space<vmem>>, vector<512xf32>
    %mul3A_31 = arith.mulf %get3A_30, %get3A_0 : vector<512xf32>
    %mul3A_32 = arith.mulf %mul3A_31, %add3A_28 : vector<512xf32>
    %mul3A_33 = arith.mulf %mul3A_32, %squeeze3A : vector<512xf32>
    %reduce_sum3A = vector.shape_cast %mul3A_33 : vector<512xf32> to vector<1x512xf32>
    %reduce_sum3A_34 = arith.constant dense<0.000000e+00> : vector<1xf32>
    %reduce_sum3A_35 = vector.multi_reduction <add>, %reduce_sum3A, %reduce_sum3A_34 [1] : vector<1x512xf32> to vector<1xf32>
    %reduce_sum3A_36 = vector.shape_cast %reduce_sum3A_35 : vector<1xf32> to vector<1x1xf32>
    %reduce_sum3A_37 = vector.extract %reduce_sum3A_36[0, 0] : f32 from vector<1x1xf32>
    %eq3A = arith.constant 0 : i32
    %eq3A_38 = arith.cmpi eq, %arg0, %eq3A : i32
    %convert_element_type3A = arith.extui %eq3A_38 : i1 to i32
    %cond3A = arith.constant 0 : i32
    %cond3A_39 = arith.cmpi ne, %convert_element_type3A, %cond3A : i32
    scf.if %cond3A_39 {
      %broadcast_in_dim3A_63 = arith.constant 0.000000e+00 : f32
      %broadcast_in_dim3A_64 = vector.broadcast %broadcast_in_dim3A_63 : f32 to vector<1x1xf32>
      %swap3A_65 = arith.constant 0 : index
      %swap3A_66 = arith.constant 0 : index
      %swap3A_67 = vector.load %arg11[%swap3A_65, %swap3A_66] : memref<1x1xf32, #tpu.memory_space<vmem>>, vector<1x1xf32>
      tpu.vector_store %arg11[%swap3A_65, %swap3A_66], %broadcast_in_dim3A_64 {strides = array<i32>} : memref<1x1xf32, #tpu.memory_space<vmem>>, vector<1x1xf32>,
      %broadcast_in_dim3A_68 = arith.constant 0.000000e+00 : f32
      %broadcast_in_dim3A_69 = vector.broadcast %broadcast_in_dim3A_68 : f32 to vector<1x1xf32>
      %swap3A_70 = arith.constant 0 : index
      %swap3A_71 = arith.constant 0 : index
      %swap3A_72 = vector.load %arg12[%swap3A_70, %swap3A_71] : memref<1x1xf32, #tpu.memory_space<vmem>>, vector<1x1xf32>
      tpu.vector_store %arg12[%swap3A_70, %swap3A_71], %broadcast_in_dim3A_69 {strides = array<i32>} : memref<1x1xf32, #tpu.memory_space<vmem>>, vector<1x1xf32>,
    } else {
    }
    %get3A_40 = arith.constant 0 : index
    %get3A_41 = arith.constant 0 : index
    %get3A_42 = vector.load %arg12[%get3A_40, %get3A_41] : memref<1x1xf32, #tpu.memory_space<vmem>>, vector<1x1xf32>
    %sub3A = vector.broadcast %reduce_sum3A_37 : f32 to vector<1x1xf32>
    %sub3A_43 = arith.subf %sub3A, %get3A_42 : vector<1x1xf32>
    %get3A_44 = arith.constant 0 : index
    %get3A_45 = arith.constant 0 : index
    %get3A_46 = vector.load %arg11[%get3A_44, %get3A_45] : memref<1x1xf32, #tpu.memory_space<vmem>>, vector<1x1xf32>
    %add3A_47 = arith.addf %get3A_46, %sub3A_43 : vector<1x1xf32>
    %get3A_48 = arith.constant 0 : index
    %get3A_49 = arith.constant 0 : index
    %get3A_50 = vector.load %arg11[%get3A_48, %get3A_49] : memref<1x1xf32, #tpu.memory_space<vmem>>, vector<1x1xf32>
    %sub3A_51 = arith.subf %add3A_47, %get3A_50 : vector<1x1xf32>
    %sub3A_52 = arith.subf %sub3A_51, %sub3A_43 : vector<1x1xf32>
    %swap3A = arith.constant 0 : index
    %swap3A_53 = arith.constant 0 : index
    %swap3A_54 = vector.load %arg12[%swap3A, %swap3A_53] : memref<1x1xf32, #tpu.memory_space<vmem>>, vector<1x1xf32>
    tpu.vector_store %arg12[%swap3A, %swap3A_53], %sub3A_52 {strides = array<i32>} : memref<1x1xf32, #tpu.memory_space<vmem>>, vector<1x1xf32>,
    %swap3A_55 = arith.constant 0 : index
    %swap3A_56 = arith.constant 0 : index
    %swap3A_57 = vector.load %arg11[%swap3A_55, %swap3A_56] : memref<1x1xf32, #tpu.memory_space<vmem>>, vector<1x1xf32>
    tpu.vector_store %arg11[%swap3A_55, %swap3A_56], %add3A_47 {strides = array<i32>} : memref<1x1xf32, #tpu.memory_space<vmem>>, vector<1x1xf32>,
    %eq3A_58 = arith.constant 19 : i32
    %eq3A_59 = arith.cmpi eq, %arg0, %eq3A_58 : i32
    %convert_element_type3A_60 = arith.extui %eq3A_59 : i1 to i32
    %cond3A_61 = arith.constant 0 : i32
    %cond3A_62 = arith.cmpi ne, %convert_element_type3A_60, %cond3A_61 : i32
    scf.if %cond3A_62 {
      %get3A_63 = arith.constant 0 : index
      %get3A_64 = arith.constant 0 : index
      %get3A_65 = vector.load %arg11[%get3A_63, %get3A_64] : memref<1x1xf32, #tpu.memory_space<vmem>>, vector<1x1xf32>
      %mul3A_66 = arith.constant 9.99999974E-5 : f32
      %mul3A_67 = vector.broadcast %mul3A_66 : f32 to vector<1x1xf32>
      %mul3A_68 = arith.mulf %get3A_65, %mul3A_67 : vector<1x1xf32>
      %get3A_69 = arith.constant 0 : index
      %get3A_70 = arith.constant 0 : index
      %get3A_71 = vector.load %arg10[%get3A_69, %get3A_70] : memref<1x1xf32, #tpu.memory_space<vmem>>, vector<1x1xf32>
      %add3A_72 = arith.addf %mul3A_68, %get3A_71 : vector<1x1xf32>
      %swap3A_73 = arith.constant 0 : index
      %swap3A_74 = arith.constant 0 : index
      %swap3A_75 = vector.load %arg11[%swap3A_73, %swap3A_74] : memref<1x1xf32, #tpu.memory_space<vmem>>, vector<1x1xf32>
      tpu.vector_store %arg11[%swap3A_73, %swap3A_74], %add3A_72 {strides = array<i32>} : memref<1x1xf32, #tpu.memory_space<vmem>>, vector<1x1xf32>,
    } else {
    }
    return
  }
  func.func @transform_0(%arg0: i32) -> (i32, i32) {
    %c0_i32 = arith.constant 0 : i32
    %c0_i32_0 = arith.constant 0 : i32
    return %arg0, %c0_i32 : i32, i32
  }
  func.func @transform_1(%arg0: i32) -> (i32, i32) {
    %c0_i32 = arith.constant 0 : i32
    %c0_i32_0 = arith.constant 0 : i32
    return %arg0, %c0_i32 : i32, i32
  }
  func.func @transform_2(%arg0: i32) -> (i32, i32) {
    %c0_i32 = arith.constant 0 : i32
    %c0_i32_0 = arith.constant 0 : i32
    return %arg0, %c0_i32 : i32, i32
  }
  func.func @transform_3(%arg0: i32) -> i32 {
    %c0_i32 = arith.constant 0 : i32
    return %arg0 : i32
  }
  func.func @transform_4(%arg0: i32) -> i32 {
    %c0_i32 = arith.constant 0 : i32
    return %arg0 : i32
  }
  func.func @transform_5(%arg0: i32) -> i32 {
    %c0_i32 = arith.constant 0 : i32
    return %arg0 : i32
  }
  func.func @transform_6(%arg0: i32) -> i32 {
    %c0_i32 = arith.constant 0 : i32
    return %arg0 : i32
  }
  func.func @transform_7(%arg0: i32) -> (i32, i32) {
    %c0_i32 = arith.constant 0 : i32
    %c0_i32_0 = arith.constant 0 : i32
    %c0_i32_1 = arith.constant 0 : i32
    return %c0_i32, %c0_i32_0 : i32, i32
  }
  func.func @transform_8(%arg0: i32) -> (i32, i32) {
    %c0_i32 = arith.constant 0 : i32
    %c0_i32_0 = arith.constant 0 : i32
    %c0_i32_1 = arith.constant 0 : i32
    return %c0_i32, %c0_i32_0 : i32, i32
  }
  func.func @transform_9(%arg0: i32) -> (i32, i32) {
    %c0_i32 = arith.constant 0 : i32
    %c0_i32_0 = arith.constant 0 : i32
    %c0_i32_1 = arith.constant 0 : i32
    return %c0_i32, %c0_i32_0 : i32, i32
  }
  func.func @transform_10(%arg0: i32) -> (i32, i32) {
    %c0_i32 = arith.constant 0 : i32
    %c0_i32_0 = arith.constant 0 : i32
    %c0_i32_1 = arith.constant 0 : i32
    return %c0_i32, %c0_i32_0 : i32, i32
  }
}

</mosaic_0001>

<sc_bundles>
// kernel: kernel.6.cloned.1.call-start
scs
__scs_entry_jumppad:
0x0: {  	(pc) =	sbr.rel $0x88, $3  }
0x1: {  	(tag) =	ssettag $0x0;
	lr =	simm.s32 $0x1  }
0x2: {  	[smem:$0x3F9B] =	sst lr;
	_ =	strace $0xD0000000  }
0x3: {  	_ = 	snop  }
0x4: {  	_ = 	snop  }
0x5: {  	_ = 	snop  }
0x6: {  	_ = 	snop  }
0x7: {  	_ = 	snop  }
__scs_overlays_trampoline_lowered:
0x8: {  	[smem:$0x3FAA] =	sst s0  }
0x9: {  	[smem:$0x3FAB] =	sst s1  }
0xa: {  	[smem:$0x3FAC] =	sst s2  }
0xb: {  	[smem:$0x3FAD] =	sst s3  }
0xc: {  	[smem:$0x3FAE] =	sst s4  }
0xd: {  	[smem:$0x3FAF] =	sst s5  }
0xe: {  	[smem:$0x3FB0] =	sst s6  }
0xf: {  	[smem:$0x3FB1] =	sst s7  }
0x10: {  	[smem:$0x3FB2] =	sst s8  }
0x11: {  	[smem:$0x3FB3] =	sst s9;
	s0 =	simm.s32 @!p0 $0x0  }
0x12: {  	s1 =	sld [smem:$0x3F99];
	s0 =	simm.s32 @p0 $0x1  }
0x13: {  	[smem:$0x3FB4] =	sst s0;
	s0 =	simm.s32 @!p1 $0x0  }
0x14: {  	s2 =	sld [smem:$0x3F98];
	s0 =	simm.s32 @p1 $0x1  }
0x15: {  	[smem:$0x3FB5] =	sst s0;
	s0 =	simm.s32 @!p2 $0x0  }
0x16: {  	s3 =	sld [smem:$0x3FDB];
	s0 =	simm.s32 @p2 $0x1  }
0x17: {  	s4 =	simm.s32 $0x1BF5;
	[smem:$0x3FB7] =	sst s0  }
0x18: {  	s0 =	sld [smem:$0x3F9A];
	_ =	swait.ge [sflag:s4], $0x0  }
0x19: {  	s7 =	sld [smem:$0x3F9B]  }
0x1a: {  	s8 =	sadd.s32 $0xFFFFE003, lr  }
0x1b: {  	s9 =	sadd.s32 $0xFFFFFEF7, lr;
	s5 =	simm.s32 $0xFFFFFFFF;
	p2 =	slt.u32 s8, $0xFFFFF086  }
0x1c: {  	p1 =	slt.u32 s9, $0xF7A;
	s5 =	simm.s32 @!p2 $0x0  }
0x1d: {  	s5 =	simm.s32 @p1 $0x1;
	p0 =	seq.s32 s7, s2  }
0x1e: {  	s7 =	smul.u32 @!p0 $0xF7A, s2;
	p2 =	seq.s32 @!p0 s5, $0x0  }
0x1f: {  	s9 =	smul.u32 $0xF7A, s1;
	s8 =	simm.s32 @!p0 $0x1BF5;
	p2 =	por !p2, p0  }
0x20: {  	[sflag:s8] =	ssyncset.s32 @!p0 $0xFFFFF086;
	s6 =	sadd.s32 @!p0 s3, s7;
	s7 =	simm.s32 @!p0 $0x108  }
0x21: {  	s3 =	sadd.s32 s3, s9;
	s6 =	sadd.s32 @!p0 $0x88, s6;
	s7 =	simm.s32 @p2 $0x1082  }
0x22: {  	[simem:s7], [sflag:s8] =	dma.local @!p0 [hbm:s6], $0xF7A  }
0x23: {  	s9 =	sor.u32 $0xD0000000, s2;
	s6 =	simm.s32 $0x108;
	_ =	swait.ge @!p0 [sflag:s8], $0x0  }
0x24: {  	s3 =	sadd.s32 $0x88, s3;
	s6 =	simm.s32 @!p1 $0x1082;
	[sflag:s4] =	ssyncset.s32 $0xFFFFF086  }
0x25: {  	[simem:s6], [sflag:s4] =	dma.local [hbm:s3], $0xF7A  }
0x26: {  	[smem:$0x3F9B] =	sst s1;
	(tag) =	ssettag s2;
	_ =	strace s9  }
0x27: {  	s1 =	sld [smem:$0x3FAB]  }
0x28: {  	s2 =	sld [smem:$0x3FAC]  }
0x29: {  	s4 =	sld [smem:$0x3FAE]  }
0x2a: {  	p0 =	seq.s32 s5, $0x0;
	s5 =	sld [smem:$0x3FAF]  }
0x2b: {  	s6 =	sld [smem:$0x3FB0]  }
0x2c: {  	s7 =	sld [smem:$0x3FB1]  }
0x2d: {  	s3 =	simm.s32 $0x108;
	s8 =	sld [smem:$0x3FB2]  }
0x2e: {  	s3 =	simm.s32 @!p0 $0x1082;
	s9 =	sld [smem:$0x3FB3]  }
0x2f: {  	lr =	sadd.s32 s0, s3;
	s0 =	sld [smem:$0x3FAA]  }
0x30: {  	s3 =	sld [smem:$0x3FAD]  }
0x31: {  	[smem:$0x3FB6] =	sst s10  }
0x32: {  	s10 =	sld [smem:$0x3FB4];
	_ =	sdelay $0x3  }
0x33: {  	p0 =	seq.s32 s10, $0x1;
	s10 =	sld [smem:$0x3FB6];
	_ =	sdelay $0x3  }
0x34: {  	[smem:$0x3FB6] =	sst s10  }
0x35: {  	s10 =	sld [smem:$0x3FB5];
	_ =	sdelay $0x3  }
0x36: {  	p1 =	seq.s32 s10, $0x1;
	s10 =	sld [smem:$0x3FB6];
	_ =	sdelay $0x3  }
0x37: {  	[smem:$0x3FB6] =	sst s10  }
0x38: {  	s10 =	sld [smem:$0x3FB7]  }
0x39: {  	_ = 	snop;
	(pc) =	sbr.ind lr, $3  }
0x3a: {  	_ = 	snop  }
0x3b: {  	_ = 	snop  }
0x3c: {  	p2 =	seq.s32 s10, $0x1;
	s10 =	sld [smem:$0x3FB6]  }
0x3d: {  	_ =	shalt  }
0x3e: {  	_ =	shalt  }
0x3f: {  	_ =	shalt  }
0x40: {  	_ =	shalt  }
0x41: {  	_ =	shalt  }
0x42: {  	_ =	shalt  }
0x43: {  	_ =	shalt  }
0x44: {  	_ =	shalt  }
0x45: {  	_ =	shalt  }
0x46: {  	_ =	shalt  }
0x47: {  	_ =	shalt  }
0x48: {  	_ =	shalt  }
0x49: {  	_ =	shalt  }
0x4a: {  	_ =	shalt  }
0x4b: {  	_ =	shalt  }
0x4c: {  	_ =	shalt  }
0x4d: {  	_ =	shalt  }
0x4e: {  	_ =	shalt  }
0x4f: {  	_ =	shalt  }
0x50: {  	_ =	shalt  }
0x51: {  	_ =	shalt  }
0x52: {  	_ =	shalt  }
0x53: {  	_ =	shalt  }
0x54: {  	_ =	shalt  }
0x55: {  	_ =	shalt  }
0x56: {  	_ =	shalt  }
0x57: {  	_ =	shalt  }
0x58: {  	_ =	shalt  }
0x59: {  	_ =	shalt  }
0x5a: {  	_ =	shalt  }
0x5b: {  	_ =	shalt  }
0x5c: {  	_ =	shalt  }
0x5d: {  	_ =	shalt  }
0x5e: {  	_ =	shalt  }
0x5f: {  	_ =	shalt  }
0x60: {  	_ =	shalt  }
0x61: {  	_ =	shalt  }
0x62: {  	_ =	shalt  }
0x63: {  	_ =	shalt  }
0x64: {  	_ =	shalt  }
0x65: {  	_ =	shalt  }
0x66: {  	_ =	shalt  }
0x67: {  	_ =	shalt  }
0x68: {  	_ =	shalt  }
0x69: {  	_ =	shalt  }
0x6a: {  	_ =	shalt  }
0x6b: {  	_ =	shalt  }
0x6c: {  	_ =	shalt  }
0x6d: {  	_ =	shalt  }
0x6e: {  	_ =	shalt  }
0x6f: {  	_ =	shalt  }
0x70: {  	_ =	shalt  }
0x71: {  	_ =	shalt  }
0x72: {  	_ =	shalt  }
0x73: {  	_ =	shalt  }
0x74: {  	_ =	shalt  }
0x75: {  	_ =	shalt  }
0x76: {  	_ =	shalt  }
0x77: {  	_ =	shalt  }
0x78: {  	_ =	shalt  }
0x79: {  	_ =	shalt  }
0x7a: {  	_ =	shalt  }
0x7b: {  	_ =	shalt  }
0x7c: {  	_ =	shalt  }
0x7d: {  	_ =	shalt  }
0x7e: {  	_ =	shalt  }
0x7f: {  	_ =	shalt  }
0x80: {  	_ =	shalt  }
0x81: {  	_ =	shalt  }
0x82: {  	_ =	shalt  }
0x83: {  	_ =	shalt  }
0x84: {  	_ =	shalt  }
0x85: {  	_ =	shalt  }
0x86: {  	_ =	shalt  }
0x87: {  	_ =	shalt  }
.Lfunc_end0:
.L_simem_size_0:
called_computation_lowered:
.L_overlay_start_0:
0x88: {  	s2 =	sld [smem:$0x3FD9]  }
0x89: {  	s3 =	sld [smem:$0x3FFE];
	_ =	sdelay $0x1  }
0x8a: {  	s1 =	srdreg.scid  }
0x8b: {  	s0 =	sand.u32 $0x1, s1  }
0x8c: {  	s16 =	sshll.u32 s0, $0xA;
	s2 =	sadd.s32 s3, s2  }
0x8d: {  	s2 =	sadd.s32 s2, s16  }
0x8e: {  	[smem:$0x3FC2] =	sst s2  }
0x8f: {  	_ = 	snop  }
0x90: {  	(tm) =	ssettm $0x1  }
0x91: {  	s17 =	sld [smem:$0x3FFB];
	_ =	sdelay $0x3  }
0x92: {  	_ =	strace s17  }
0x93: {  	s2 =	sld [smem:$0x3FFC];
	_ =	sdelay $0x3  }
0x94: {  	_ =	strace s2  }
0x95: {  	s2 =	sld [smem:$0x3FFD];
	_ =	sdelay $0x3  }
0x96: {  	_ =	strace s2  }
0x97: {  	_ =	strace $0x8FFFFFFF  }
0x98: {  	s18 =	sld [smem:$0x3FDB];
	_ =	sdelay $0x1  }
0x99: {  	s19 =	simm.s32 $_scs_section_size  }
0x9a: {  	s4 =	simm.s32 $_size__tile_overlayer_lowered;
	s5 =	simm.s32 $_tile_overlayer_lowered  }
0x9b: {  	s22 =	simm.s32 $0x1BFF;
	s21 =	sshll.u32 s5, $0x1;
	s2 =	sadd.s32 s19, s18  }
0x9c: {  	s6 =	simm.s32 $0x0;
	s20 =	sshll.u32 s4, $0x1;
	s4 =	sadd.s32 s21, s2  }
0x9d: {  	[timem:s6], [sflag:s22] =	dma.local [hbm:s4], s20  }
0x9e: {  	_ =	swait.ge [sflag:s22], s20  }
0x9f: {  	s3 =	ssub.s32 $0x0, s20;
	[sflag:s22] =	ssyncset.done $0x0  }
0xa0: {  	[sflag:s22] =	ssyncadd.s32 s3;
	_ =	sdelay $0x1  }
0xa1: {  	s23 =	simm.s32 $0x1B8B  }
0xa2: {  	_ =	swait.ge [sflag:s23], $0x1  }
0xa3: {  	[sflag:s23] =	ssyncset.done $0x0  }
0xa4: {  	s25 =	simm.s32 $0x1B8E;
	s24 =	sld [smem:$0x3FFE];
	[sflag:s23] =	ssyncadd.s32 $0xFFFFFFFF  }
0xa5: {  	s26 =	simm.s32 $execute0_lowered;
	[smem:$0x3FD2] =	sst s25  }
0xa6: {  	s4 =	sshll.u32 s26, $0x1;
	_ =	strace $0x80000046;
	[dreg:$0x1] =	wrdreg $0xFFFFFFFF  }
0xa7: {  	s28 =	simm.s32 $_size_execute0_lowered;
	s2 =	sadd.s32 s2, s4;
	[dreg:$0x0] =	wrdreg $0x0  }
0xa8: {  	s4 =	sshll.u32 s28, $0x1;
	[dreg:$0x2] =	wrdreg s2  }
0xa9: {  	[dreg:$0x3] =	wrdreg s4  }
0xaa: {  	[dreg:$0x4] =	wrdreg $0xC0  }
0xab: {  	_ =	task [dreg:s6], $0x5FFFF  }
0xac: {  	[dreg:$0x1] =	wrdreg $0xFFFFFFFF  }
0xad: {  	[dreg:$0x0] =	wrdreg $0x60  }
0xae: {  	[dreg:$0x2] =	wrdreg s24  }
0xaf: {  	[dreg:$0x3] =	wrdreg $0x79000  }
0xb0: {  	[dreg:$0x4] =	wrdreg $0x9  }
0xb1: {  	_ =	task.clear_ibuf [dreg:s6], $0x5FFFF;
	_ =	strace $0x90000046  }
0xb2: {  	s29 =	simm.s32 $0x9;
	_ =	strace $0x80000048  }
0xb3: {  	_ =	swait.ge [sflag:s29], $0x1  }
0xb4: {  	[sflag:s29] =	ssyncadd.s32 $0xFFFFFFFF  }
0xb5: {  	_ =	strace $0x90000048  }
0xb6: {  	_ =	sfence  }
0xb7: {  	s30 =	sld [smem:$0x0];
	_ =	sdelay $0x2  }
0xb8: {  	s31 =	sshll.u32 s1, $0xD;
	s1 =	sshrl.u32 s1, $0x2  }
0xb9: {  	s3 =	sand.u32 $0x4000, s31;
	s1 =	sadd.s32 s1, s30  }
0xba: {  	s0 =	sor.u32 s3, s0;
	s1 =	sshll.u32 s1, $0x11  }
0xbb: {  	s0 =	sor.u32 s1, s0  }
0xbc: {  	s0 =	sadd.s32 $0x8F2B, s0  }
0xbd: {  	[sflag:s0] =	ssyncadd.remote.s32 $0x1  }
0xbe: {  	_ =	sfence.sel $0xFFFF  }
0xbf: {  	[dreg:$0x0] =	wrdreg $0xFFFFFFFF;
	(pc) =	sbr.abs _section_cstart, $3  }
0xc0: {  	[dreg:$0x1] =	wrdreg $0xFFFFFFFF  }
0xc1: {  	_ =	task.clear_ibuf [dreg:s6], $0x2FFFF;
	_ =	strace $0x9FFFFFFF  }
0xc2: {  	(tm) =	ssettm $0x7FFFFFFF  }
0xc3: {  	_ =	shalt  }
tec
execute0_lowered:
.L_overlay_start_1:
0x0: {  	(tag) =	ssettag $0x1  }
0x1: {  	s4 =	rddreg [dreg:$0x0]  }
0x2: {  	s2 =	rddreg [dreg:$0x1];
	s3 =	srdreg.scid  }
0x3: {  	s1 =	stileid.u32;
	s0 =	rddreg [dreg:$0x2];
	s10 =	simm.s32 $0x2780  }
0x4: {  	s11 =	simm.s32 $0x4F00;
	s14 =	simm.s32 $0x0;
	s5 =	sand.u32 $0x1, s3  }
0x5: {  	s6 =	smul.u32 $0x280, s1;
	s3 =	simm.s32 $0x0;
	s12 =	sshll.u32 s1, $0x6  }
0x6: {  	s7 =	sshll.u32 s5, $0x4;
	s8 =	smul.u32 $0x2800, s5;
	[smem:$0x7FF] =	sst s3  }
0x7: {  	s5 =	ssub.s32 $0x2, s5;
	s12 =	sor.u32 $0x1C01, s12;
	s7 =	sor.u32 s1, s7  }
0x8: {  	s9 =	sshrl.u32 s5, $0x1;
	s7 =	smul.u32 $0x4F0, s7;
	s8 =	sadd.s32 s6, s8  }
0x9: {  	_ =	strace $0x80000047;
	s9 =	ssub.s32 s5, s9;
	s8 =	sshrl.u32 s8, $0x3  }
0xa: {  	s5 =	sadd.s32 s6, s2;
	s7 =	sadd.s32 s7, s4;
	s8 =	sadd.s32 s8, s4  }
0xb: {  	s13 =	sshrl.u32 s5, $0x3;
	s4 =	sadd.s32 $0x2200, s7;
	s6 =	sadd.s32 $0xC000, s8  }
0xc: {  	v0 =	vimm.f32 $1.000000000e+00;
	v1 =	vimm.f32 $0.0e+00;
	s7 =	smax.u32 s9, $0x1;
	s8 =	simm.s32 $0x1;
	s9 =	simm.s32 $0x7680  }
.LBB2_1:
0xd: {  	[tilespmem:s3], [sflag:$0x1] =	stream.linear.gather [hbm4b:s4+s3], $0x2780, $0x38;
	[tilespmem:$0x7B80] =	vst v63  }
0xe: {  	_ =	swait.ge [sflag:s8], $0x2780  }
0xf: {  	[sflag:s8] =	ssyncset.done $0x0  }
0x10: {  	s15 =	simm.s32 $0x0;
	s16 =	simm.s32 $0x200;
	[sflag:s8] =	ssyncadd.s32 $0xFFFFD880  }
.LBB2_2:
0x11: {  	p0 =	sne.s32 s16, $0x9C00;
	[tilespmem:s15+$0x4F00] =	vst v0;
	v2 =	vld [tilespmem:s15+$0x70]  }
0x12: {  	v3 =	vld [tilespmem:s15+$0x0];
	[tilespmem:s15+$0x4F10] =	vst v0  }
0x13: {  	v4 =	vld [tilespmem:s15+$0x10];
	[tilespmem:s15+$0x4F20] =	vst v0  }
0x14: {  	v5 =	vld [tilespmem:s15+$0x20];
	[tilespmem:s15+$0x4F30] =	vst v0  }
0x15: {  	v6 =	vld [tilespmem:s15+$0x30];
	[tilespmem:s15+$0x4F40] =	vst v0  }
0x16: {  	v7 =	vld [tilespmem:s15+$0x40];
	[tilespmem:s15+$0x27F0] =	vst v2  }
0x17: {  	[tilespmem:s15+$0x2780] =	vst v3;
	v2 =	vld [tilespmem:s15+$0x50]  }
0x18: {  	[tilespmem:s15+$0x2790] =	vst v4;
	v3 =	vld [tilespmem:s15+$0x60]  }
0x19: {  	[tilespmem:s15+$0x27A0] =	vst v5  }
0x1a: {  	[tilespmem:s15+$0x27B0] =	vst v6  }
0x1b: {  	[tilespmem:s15+$0x27C0] =	vst v7  }
.Ltmp0:
0x1c: {  	[tilespmem:s15+$0x27D0] =	vst v2;
	(pc) =	sbr.rel @p0 .LBB2_2-.Ltmp0, $4  }
0x1d: {  	[tilespmem:s15+$0x27E0] =	vst v3  }
0x1e: {  	[tilespmem:s15+$0x4F50] =	vst v0  }
0x1f: {  	[tilespmem:s15+$0x4F60] =	vst v0  }
0x20: {  	[tilespmem:s15+$0x4F70] =	vst v0;
	s15 =	sshra.s32 s16, $0x2;
	s16 =	sadd.s32 $0x200, s16  }
0x21: {  	[tilespmem:s15+$0x4F00] =	vst v0  }
0x22: {  	[tilespmem:s15+$0x4F10] =	vst v0  }
0x23: {  	[tilespmem:s15+$0x4F20] =	vst v0  }
0x24: {  	v2 =	vld [tilespmem:s15+$0x70];
	[tilespmem:s15+$0x4F30] =	vst v0  }
0x25: {  	v3 =	vld [tilespmem:s15+$0x0];
	[tilespmem:s15+$0x4F40] =	vst v0  }
0x26: {  	v4 =	vld [tilespmem:s15+$0x10];
	[tilespmem:s15+$0x4F50] =	vst v0  }
0x27: {  	v5 =	vld [tilespmem:s15+$0x20];
	[tilespmem:s15+$0x4F60] =	vst v0  }
0x28: {  	v6 =	vld [tilespmem:s15+$0x30];
	[tilespmem:s15+$0x4F70] =	vst v0  }
0x29: {  	v7 =	vld [tilespmem:s15+$0x40];
	[tilespmem:s15+$0x27F0] =	vst v2  }
0x2a: {  	[tilespmem:s15+$0x2780] =	vst v3;
	v2 =	vld [tilespmem:s15+$0x50]  }
0x2b: {  	[tilespmem:s15+$0x2790] =	vst v4;
	v3 =	vld [tilespmem:s15+$0x60]  }
0x2c: {  	[tilespmem:s15+$0x27A0] =	vst v5  }
0x2d: {  	[tilespmem:s15+$0x27B0] =	vst v6  }
0x2e: {  	[tilespmem:s15+$0x27C0] =	vst v7  }
0x2f: {  	[tilespmem:s15+$0x27D0] =	vst v2  }
0x30: {  	[tilespmem:s15+$0x27E0] =	vst v3  }
0x31: {  	[tilespmem:$0x7680] =	vst v1  }
0x32: {  	[tilespmem:$0x7690] =	vst v1  }
0x33: {  	[tilespmem:$0x76A0] =	vst v1  }
0x34: {  	[tilespmem:$0x76B0] =	vst v1  }
0x35: {  	[tilespmem:$0x76C0] =	vst v1  }
0x36: {  	[tilespmem:$0x76D0] =	vst v1  }
0x37: {  	[tilespmem:$0x76E0] =	vst v1  }
0x38: {  	[tilespmem:$0x76F0] =	vst v1  }
0x39: {  	[tilespmem:$0x7700] =	vst v1  }
0x3a: {  	[tilespmem:$0x7710] =	vst v1  }
0x3b: {  	[tilespmem:$0x7720] =	vst v1  }
0x3c: {  	[tilespmem:$0x7730] =	vst v1  }
0x3d: {  	[tilespmem:$0x7740] =	vst v1  }
0x3e: {  	[tilespmem:$0x7750] =	vst v1  }
0x3f: {  	[tilespmem:$0x7760] =	vst v1  }
0x40: {  	[tilespmem:$0x7770] =	vst v1  }
0x41: {  	[tilespmem:$0x7780] =	vst v1  }
0x42: {  	[tilespmem:$0x7790] =	vst v1  }
0x43: {  	[tilespmem:$0x77A0] =	vst v1  }
0x44: {  	[tilespmem:$0x77B0] =	vst v1  }
0x45: {  	[tilespmem:$0x77C0] =	vst v1  }
0x46: {  	[tilespmem:$0x77D0] =	vst v1  }
0x47: {  	[tilespmem:$0x77E0] =	vst v1  }
0x48: {  	[tilespmem:$0x77F0] =	vst v1  }
0x49: {  	[tilespmem:$0x7800] =	vst v1  }
0x4a: {  	[tilespmem:$0x7810] =	vst v1  }
0x4b: {  	[tilespmem:$0x7820] =	vst v1  }
0x4c: {  	[tilespmem:$0x7830] =	vst v1  }
0x4d: {  	[tilespmem:$0x7840] =	vst v1  }
0x4e: {  	[tilespmem:$0x7850] =	vst v1  }
0x4f: {  	[tilespmem:$0x7860] =	vst v1  }
0x50: {  	[tilespmem:$0x7870] =	vst v1  }
0x51: {  	[tilespmem:$0x7880] =	vst v1  }
0x52: {  	[tilespmem:$0x7890] =	vst v1  }
0x53: {  	[tilespmem:$0x78A0] =	vst v1  }
0x54: {  	[tilespmem:$0x78B0] =	vst v1  }
0x55: {  	[tilespmem:$0x78C0] =	vst v1  }
0x56: {  	[tilespmem:$0x78D0] =	vst v1  }
0x57: {  	[tilespmem:$0x78E0] =	vst v1  }
0x58: {  	[tilespmem:$0x78F0] =	vst v1  }
0x59: {  	[spmem:s5] =	stream.linear.scatter [tilespmem:s9], [sflag:$0x1], $0x280, $0x38;
	[tilespmem:$0x7B80] =	vst v63  }
0x5a: {  	_ =	swait.ge [sflag:s8], $0x280  }
0x5b: {  	[sflag:s8] =	ssyncset.done $0x0  }
0x5c: {  	[sflag:s8] =	ssyncadd.s32 $0xFFFFFD80  }
0x5d: {  	[bflag:$0x0] =	sbarrier.arrive $0xFFFF  }
0x5e: {  	[spmem:s2] =	stream.indirect.scatter.add.f32 [tilespmem:s11], [sflag:$0x1], $0x1, s10, s10, $0xb8;
	[tilespmem:$0x7B80] =	vst v63  }
0x5f: {  	_ =	swait.ge [sflag:s8], $0x2780  }
0x60: {  	s14 =	sadd.s32 $0x1, s14;
	[sflag:s8] =	ssyncset.done $0x0  }
0x61: {  	p0 =	sne.s32 s14, s7;
	[sflag:s8] =	ssyncadd.s32 $0xFFFFD880  }
.Ltmp1:
0x62: {  	[bflag:$0x0] =	sbarrier.arrive $0xFFFF;
	(pc) =	sbr.rel @p0 .LBB2_1-.Ltmp1, $4  }
0x63: {  	[hbm:s6], [sflag:s12] =	dma.local [spmem:s13], $0x50  }
0x64: {  	_ =	swait.ge [sflag:s8], $0x50  }
0x65: {  	[sflag:s8] =	ssyncset.done $0x0  }
0x66: {  	[sflag:s8] =	ssyncadd.s32 $0xFFFFFFB0  }
0x67: {  	_ =	sfence.sel $0x180000  }
0x68: {  	[bflag:$0x0] =	sbarrier.arrive $0xFFFF  }
0x69: {  	p0 =	sne.s32 s1, $0x0;
	_ =	strace $0x90000047  }
0x6a: {  	s0 =	sadd.s32 @!p0 $0x100000, s0;
	[bflag:$0x2] =	sbarrier.arrive $0xFFFF  }
0x6b: {  	[sflag:s0] =	ssyncadd.tile.s32 @!p0 $0x1;
	_ =	shalt  }
.Lfunc_end2:
_tile_overlayer_lowered:
.L_overlay_start_2:
0x6c: {  	(tag) =	ssettag $0x2  }
0x6d: {  	s0 =	rddreg [dreg:$0x0];
	s2 =	stileid.u32  }
0x6e: {  	s1 =	rddreg [dreg:$0x1];
	p0 =	sne.s32 s2, $0x0  }
0x6f: {  	s3 =	rddreg [dreg:$0x2];
	[bflag:$0x3] =	sbarrier.arrive $0xFFFF;
	s2 =	simm.s32 @!p0 $0x1C01  }
0x70: {  	[timem:s3], [sflag:s2] =	dma.local @!p0 [hbm:s0], s1  }
0x71: {  	s0 =	simm.s32 @!p0 $0x1  }
0x72: {  	_ =	swait.ge @!p0 [sflag:s0], s1  }
0x73: {  	s1 =	ssub.s32 @!p0 $0x0, s1;
	[sflag:s0] =	ssyncset.done @!p0 $0x0  }
0x74: {  	[sflag:s0] =	ssyncadd.s32 @!p0 s1  }
0x75: {  	[bflag:$0x3] =	sbarrier.arrive $0xFFFF  }
0x76: {  	_ =	shalt  }

// kernel: kernel.9.cloned.1.call-start
scs
__scs_entry_jumppad:
0x0: {  	(pc) =	sbr.rel $0x88, $3  }
0x1: {  	(tag) =	ssettag $0x0;
	lr =	simm.s32 $0x1  }
0x2: {  	[smem:$0x3F9B] =	sst lr;
	_ =	strace $0xD0000000  }
0x3: {  	_ = 	snop  }
0x4: {  	_ = 	snop  }
0x5: {  	_ = 	snop  }
0x6: {  	_ = 	snop  }
0x7: {  	_ = 	snop  }
__scs_overlays_trampoline_lowered:
0x8: {  	[smem:$0x3FAA] =	sst s0  }
0x9: {  	[smem:$0x3FAB] =	sst s1  }
0xa: {  	[smem:$0x3FAC] =	sst s2  }
0xb: {  	[smem:$0x3FAD] =	sst s3  }
0xc: {  	[smem:$0x3FAE] =	sst s4  }
0xd: {  	[smem:$0x3FAF] =	sst s5  }
0xe: {  	[smem:$0x3FB0] =	sst s6  }
0xf: {  	[smem:$0x3FB1] =	sst s7  }
0x10: {  	[smem:$0x3FB2] =	sst s8  }
0x11: {  	[smem:$0x3FB3] =	sst s9;
	s0 =	simm.s32 @!p0 $0x0  }
0x12: {  	s1 =	sld [smem:$0x3F99];
	s0 =	simm.s32 @p0 $0x1  }
0x13: {  	[smem:$0x3FB4] =	sst s0;
	s0 =	simm.s32 @!p1 $0x0  }
0x14: {  	s2 =	sld [smem:$0x3F98];
	s0 =	simm.s32 @p1 $0x1  }
0x15: {  	[smem:$0x3FB5] =	sst s0;
	s0 =	simm.s32 @!p2 $0x0  }
0x16: {  	s3 =	sld [smem:$0x3FDB];
	s0 =	simm.s32 @p2 $0x1  }
0x17: {  	s4 =	simm.s32 $0x1BF5;
	[smem:$0x3FB7] =	sst s0  }
0x18: {  	s0 =	sld [smem:$0x3F9A];
	_ =	swait.ge [sflag:s4], $0x0  }
0x19: {  	s7 =	sld [smem:$0x3F9B]  }
0x1a: {  	s8 =	sadd.s32 $0xFFFFE003, lr  }
0x1b: {  	s9 =	sadd.s32 $0xFFFFFEF7, lr;
	s5 =	simm.s32 $0xFFFFFFFF;
	p2 =	slt.u32 s8, $0xFFFFF086  }
0x1c: {  	p1 =	slt.u32 s9, $0xF7A;
	s5 =	simm.s32 @!p2 $0x0  }
0x1d: {  	s5 =	simm.s32 @p1 $0x1;
	p0 =	seq.s32 s7, s2  }
0x1e: {  	s7 =	smul.u32 @!p0 $0xF7A, s2;
	p2 =	seq.s32 @!p0 s5, $0x0  }
0x1f: {  	s9 =	smul.u32 $0xF7A, s1;
	s8 =	simm.s32 @!p0 $0x1BF5;
	p2 =	por !p2, p0  }
0x20: {  	[sflag:s8] =	ssyncset.s32 @!p0 $0xFFFFF086;
	s6 =	sadd.s32 @!p0 s3, s7;
	s7 =	simm.s32 @!p0 $0x108  }
0x21: {  	s3 =	sadd.s32 s3, s9;
	s6 =	sadd.s32 @!p0 $0x88, s6;
	s7 =	simm.s32 @p2 $0x1082  }
0x22: {  	[simem:s7], [sflag:s8] =	dma.local @!p0 [hbm:s6], $0xF7A  }
0x23: {  	s9 =	sor.u32 $0xD0000000, s2;
	s6 =	simm.s32 $0x108;
	_ =	swait.ge @!p0 [sflag:s8], $0x0  }
0x24: {  	s3 =	sadd.s32 $0x88, s3;
	s6 =	simm.s32 @!p1 $0x1082;
	[sflag:s4] =	ssyncset.s32 $0xFFFFF086  }
0x25: {  	[simem:s6], [sflag:s4] =	dma.local [hbm:s3], $0xF7A  }
0x26: {  	[smem:$0x3F9B] =	sst s1;
	(tag) =	ssettag s2;
	_ =	strace s9  }
0x27: {  	s1 =	sld [smem:$0x3FAB]  }
0x28: {  	s2 =	sld [smem:$0x3FAC]  }
0x29: {  	s4 =	sld [smem:$0x3FAE]  }
0x2a: {  	p0 =	seq.s32 s5, $0x0;
	s5 =	sld [smem:$0x3FAF]  }
0x2b: {  	s6 =	sld [smem:$0x3FB0]  }
0x2c: {  	s7 =	sld [smem:$0x3FB1]  }
0x2d: {  	s3 =	simm.s32 $0x108;
	s8 =	sld [smem:$0x3FB2]  }
0x2e: {  	s3 =	simm.s32 @!p0 $0x1082;
	s9 =	sld [smem:$0x3FB3]  }
0x2f: {  	lr =	sadd.s32 s0, s3;
	s0 =	sld [smem:$0x3FAA]  }
0x30: {  	s3 =	sld [smem:$0x3FAD]  }
0x31: {  	[smem:$0x3FB6] =	sst s10  }
0x32: {  	s10 =	sld [smem:$0x3FB4];
	_ =	sdelay $0x3  }
0x33: {  	p0 =	seq.s32 s10, $0x1;
	s10 =	sld [smem:$0x3FB6];
	_ =	sdelay $0x3  }
0x34: {  	[smem:$0x3FB6] =	sst s10  }
0x35: {  	s10 =	sld [smem:$0x3FB5];
	_ =	sdelay $0x3  }
0x36: {  	p1 =	seq.s32 s10, $0x1;
	s10 =	sld [smem:$0x3FB6];
	_ =	sdelay $0x3  }
0x37: {  	[smem:$0x3FB6] =	sst s10  }
0x38: {  	s10 =	sld [smem:$0x3FB7]  }
0x39: {  	_ = 	snop;
	(pc) =	sbr.ind lr, $3  }
0x3a: {  	_ = 	snop  }
0x3b: {  	_ = 	snop  }
0x3c: {  	p2 =	seq.s32 s10, $0x1;
	s10 =	sld [smem:$0x3FB6]  }
0x3d: {  	_ =	shalt  }
0x3e: {  	_ =	shalt  }
0x3f: {  	_ =	shalt  }
0x40: {  	_ =	shalt  }
0x41: {  	_ =	shalt  }
0x42: {  	_ =	shalt  }
0x43: {  	_ =	shalt  }
0x44: {  	_ =	shalt  }
0x45: {  	_ =	shalt  }
0x46: {  	_ =	shalt  }
0x47: {  	_ =	shalt  }
0x48: {  	_ =	shalt  }
0x49: {  	_ =	shalt  }
0x4a: {  	_ =	shalt  }
0x4b: {  	_ =	shalt  }
0x4c: {  	_ =	shalt  }
0x4d: {  	_ =	shalt  }
0x4e: {  	_ =	shalt  }
0x4f: {  	_ =	shalt  }
0x50: {  	_ =	shalt  }
0x51: {  	_ =	shalt  }
0x52: {  	_ =	shalt  }
0x53: {  	_ =	shalt  }
0x54: {  	_ =	shalt  }
0x55: {  	_ =	shalt  }
0x56: {  	_ =	shalt  }
0x57: {  	_ =	shalt  }
0x58: {  	_ =	shalt  }
0x59: {  	_ =	shalt  }
0x5a: {  	_ =	shalt  }
0x5b: {  	_ =	shalt  }
0x5c: {  	_ =	shalt  }
0x5d: {  	_ =	shalt  }
0x5e: {  	_ =	shalt  }
0x5f: {  	_ =	shalt  }
0x60: {  	_ =	shalt  }
0x61: {  	_ =	shalt  }
0x62: {  	_ =	shalt  }
0x63: {  	_ =	shalt  }
0x64: {  	_ =	shalt  }
0x65: {  	_ =	shalt  }
0x66: {  	_ =	shalt  }
0x67: {  	_ =	shalt  }
0x68: {  	_ =	shalt  }
0x69: {  	_ =	shalt  }
0x6a: {  	_ =	shalt  }
0x6b: {  	_ =	shalt  }
0x6c: {  	_ =	shalt  }
0x6d: {  	_ =	shalt  }
0x6e: {  	_ =	shalt  }
0x6f: {  	_ =	shalt  }
0x70: {  	_ =	shalt  }
0x71: {  	_ =	shalt  }
0x72: {  	_ =	shalt  }
0x73: {  	_ =	shalt  }
0x74: {  	_ =	shalt  }
0x75: {  	_ =	shalt  }
0x76: {  	_ =	shalt  }
0x77: {  	_ =	shalt  }
0x78: {  	_ =	shalt  }
0x79: {  	_ =	shalt  }
0x7a: {  	_ =	shalt  }
0x7b: {  	_ =	shalt  }
0x7c: {  	_ =	shalt  }
0x7d: {  	_ =	shalt  }
0x7e: {  	_ =	shalt  }
0x7f: {  	_ =	shalt  }
0x80: {  	_ =	shalt  }
0x81: {  	_ =	shalt  }
0x82: {  	_ =	shalt  }
0x83: {  	_ =	shalt  }
0x84: {  	_ =	shalt  }
0x85: {  	_ =	shalt  }
0x86: {  	_ =	shalt  }
0x87: {  	_ =	shalt  }
.Lfunc_end0:
.L_simem_size_0:
called_computation.1_lowered:
.L_overlay_start_0:
0x88: {  	s2 =	sld [smem:$0x3FD9]  }
0x89: {  	s3 =	sld [smem:$0x3FFE];
	_ =	sdelay $0x1  }
0x8a: {  	s1 =	srdreg.scid  }
0x8b: {  	s0 =	sand.u32 $0x1, s1  }
0x8c: {  	s16 =	sshll.u32 s0, $0xA;
	s2 =	sadd.s32 s3, s2  }
0x8d: {  	s2 =	sadd.s32 s2, s16  }
0x8e: {  	[smem:$0x3FC2] =	sst s2  }
0x8f: {  	_ = 	snop  }
0x90: {  	(tm) =	ssettm $0x1  }
0x91: {  	s17 =	sld [smem:$0x3FFB];
	_ =	sdelay $0x3  }
0x92: {  	_ =	strace s17  }
0x93: {  	s2 =	sld [smem:$0x3FFC];
	_ =	sdelay $0x3  }
0x94: {  	_ =	strace s2  }
0x95: {  	s2 =	sld [smem:$0x3FFD];
	_ =	sdelay $0x3  }
0x96: {  	_ =	strace s2  }
0x97: {  	_ =	strace $0x8FFFFFFF  }
0x98: {  	s18 =	sld [smem:$0x3FDB];
	_ =	sdelay $0x1  }
0x99: {  	s19 =	simm.s32 $_scs_section_size  }
0x9a: {  	s4 =	simm.s32 $_size__tile_overlayer_lowered;
	s5 =	simm.s32 $_tile_overlayer_lowered  }
0x9b: {  	s22 =	simm.s32 $0x1BFF;
	s21 =	sshll.u32 s5, $0x1;
	s2 =	sadd.s32 s19, s18  }
0x9c: {  	s6 =	simm.s32 $0x0;
	s20 =	sshll.u32 s4, $0x1;
	s4 =	sadd.s32 s21, s2  }
0x9d: {  	[timem:s6], [sflag:s22] =	dma.local [hbm:s4], s20  }
0x9e: {  	_ =	swait.ge [sflag:s22], s20  }
0x9f: {  	s3 =	ssub.s32 $0x0, s20;
	[sflag:s22] =	ssyncset.done $0x0  }
0xa0: {  	[sflag:s22] =	ssyncadd.s32 s3;
	_ =	sdelay $0x1  }
0xa1: {  	s23 =	simm.s32 $0x1B8B  }
0xa2: {  	_ =	swait.ge [sflag:s23], $0x1  }
0xa3: {  	[sflag:s23] =	ssyncset.done $0x0  }
0xa4: {  	s25 =	simm.s32 $0x1B8E;
	s24 =	sld [smem:$0x3FFE];
	[sflag:s23] =	ssyncadd.s32 $0xFFFFFFFF  }
0xa5: {  	s26 =	simm.s32 $execute0_lowered;
	[smem:$0x3FD2] =	sst s25  }
0xa6: {  	s4 =	sshll.u32 s26, $0x1;
	_ =	strace $0x80000049;
	[dreg:$0x1] =	wrdreg $0xFFFFFFFF  }
0xa7: {  	s28 =	simm.s32 $_size_execute0_lowered;
	s2 =	sadd.s32 s2, s4;
	[dreg:$0x0] =	wrdreg $0x0  }
0xa8: {  	s4 =	sshll.u32 s28, $0x1;
	[dreg:$0x2] =	wrdreg s2  }
0xa9: {  	[dreg:$0x3] =	wrdreg s4  }
0xaa: {  	[dreg:$0x4] =	wrdreg $0xC0  }
0xab: {  	_ =	task [dreg:s6], $0x5FFFF  }
0xac: {  	[dreg:$0x1] =	wrdreg $0xFFFFFFFF  }
0xad: {  	[dreg:$0x0] =	wrdreg $0x60  }
0xae: {  	[dreg:$0x2] =	wrdreg s24  }
0xaf: {  	[dreg:$0x3] =	wrdreg $0xF2800  }
0xb0: {  	[dreg:$0x4] =	wrdreg $0x192800  }
0xb1: {  	[dreg:$0x5] =	wrdreg $0x9  }
0xb2: {  	_ =	task.clear_ibuf [dreg:s6], $0x6FFFF;
	_ =	strace $0x90000049  }
0xb3: {  	s29 =	simm.s32 $0x9;
	_ =	strace $0x8000004B  }
0xb4: {  	_ =	swait.ge [sflag:s29], $0x1  }
0xb5: {  	[sflag:s29] =	ssyncadd.s32 $0xFFFFFFFF  }
0xb6: {  	_ =	strace $0x9000004B  }
0xb7: {  	_ =	sfence  }
0xb8: {  	s30 =	sld [smem:$0x0];
	_ =	sdelay $0x2  }
0xb9: {  	s31 =	sshll.u32 s1, $0xD;
	s1 =	sshrl.u32 s1, $0x2  }
0xba: {  	s3 =	sand.u32 $0x4000, s31;
	s1 =	sadd.s32 s1, s30  }
0xbb: {  	s0 =	sor.u32 s3, s0;
	s1 =	sshll.u32 s1, $0x11  }
0xbc: {  	s0 =	sor.u32 s1, s0  }
0xbd: {  	s0 =	sadd.s32 $0x8F2B, s0  }
0xbe: {  	[sflag:s0] =	ssyncadd.remote.s32 $0x1  }
0xbf: {  	_ =	sfence.sel $0xFFFF  }
0xc0: {  	[dreg:$0x0] =	wrdreg $0xFFFFFFFF;
	(pc) =	sbr.abs _section_cstart, $3  }
0xc1: {  	[dreg:$0x1] =	wrdreg $0xFFFFFFFF  }
0xc2: {  	_ =	task.clear_ibuf [dreg:s6], $0x2FFFF;
	_ =	strace $0x9FFFFFFF  }
0xc3: {  	(tm) =	ssettm $0x7FFFFFFF  }
tec
execute0_lowered:
.L_overlay_start_1:
0x0: {  	(tag) =	ssettag $0x1  }
0x1: {  	s0 =	srdreg.scid;
	s3 =	rddreg [dreg:$0x0]  }
0x2: {  	s10 =	stileid.u32;
	s2 =	rddreg [dreg:$0x1]  }
0x3: {  	s11 =	rddreg [dreg:$0x2];
	s4 =	simm.s32 $0x0;
	s30 =	simm.s32 $0xBE00  }
0x4: {  	s31 =	simm.s32 $0x1;
	s0 =	sand.u32 $0x1, s0;
	s6 =	smul.u32 $0xA000, s10  }
0x5: {  	[smem:$0x7FF] =	sst s4;
	s8 =	smul.u32 $0x280, s10;
	s5 =	sadd.s32 $0x16800, s3  }
0x6: {  	s12 =	sadd.s32 $0xC000, s3;
	s1 =	sshll.u32 s0, $0x4;
	s7 =	smul.u32 $0xA0000, s0  }
0x7: {  	_ =	strace $0x8000004A;
	s9 =	smul.u32 $0x2800, s0;
	[dreg:$0x4] =	wrdreg s12  }
0x8: {  	s0 =	ssub.s32 $0x2, s0;
	s1 =	sor.u32 s10, s1;
	s10 =	smul.u32 $0x28000, s10  }
0x9: {  	s20 =	sshrl.u32 s0, $0x1;
	s1 =	smul.u32 $0x4F0, s1;
	s7 =	sadd.s32 s6, s7  }
0xa: {  	s9 =	sadd.s32 s8, s9;
	s0 =	ssub.s32 s0, s20;
	s7 =	sshrl.u32 s7, $0x3  }
0xb: {  	s19 =	sshrl.u32 s9, $0x3;
	s21 =	sshrl.u32 s10, $0x2;
	s29 =	smax.u32 s0, $0x1  }
0xc: {  	s0 =	simm.s32 $0x80;
	s1 =	sadd.s32 s1, s3;
	s26 =	sadd.s32 s7, s3  }
0xd: {  	s3 =	sadd.s32 s19, s3;
	s7 =	sadd.s32 s6, s2;
	s22 =	sadd.s32 s21, s2  }
0xe: {  	s6 =	simm.s32 $0x7680;
	s9 =	sadd.s32 $0xA00, s22;
	s23 =	sadd.s32 $0x1400, s22  }
0xf: {  	s24 =	sadd.s32 $0x1E00, s22;
	s25 =	sadd.s32 $0x2800, s22;
	s12 =	sadd.s32 $0x3200, s22  }
0x10: {  	s13 =	sadd.s32 $0x3C00, s22;
	s14 =	sadd.s32 $0x4600, s22;
	s15 =	sadd.s32 $0x5000, s22  }
0x11: {  	s16 =	sadd.s32 $0x5A00, s22;
	s17 =	sadd.s32 $0x6400, s22;
	s18 =	sadd.s32 $0x6E00, s22  }
0x12: {  	s19 =	sadd.s32 $0x7800, s22;
	s20 =	sadd.s32 $0x8200, s22;
	[dreg:$0x5] =	wrdreg s9  }
0x13: {  	s21 =	sadd.s32 $0x8C00, s22;
	s22 =	sadd.s32 $0x9600, s22;
	[dreg:$0x6] =	wrdreg s23  }
0x14: {  	s26 =	sadd.s32 $0x2A800, s26;
	s28 =	sadd.s32 $0x52800, s3;
	[dreg:$0x7] =	wrdreg s24  }
0x15: {  	s3 =	simm.s32 $0x2780;
	[dreg:$0x8] =	wrdreg s25;
	s23 =	sadd.s32 s8, s11  }
0x16: {  	v0 =	vimm.f32 $0.0e+00;
	s24 =	sadd.s32 $0xCA00, s1;
	s25 =	sadd.s32 $0x2200, s1;
	s1 =	simm.s32 $0xCA80  }
.LBB2_1:
0x17: {  	s9 =	simm.s32 $0x100;
	s8 =	simm.s32 $0x0  }
.LBB2_2:
0x18: {  	p0 =	sne.s32 s9, $0x2700;
	[tilespmem:s8+$0xBE30] =	vst v0;
	s10 =	smov.u32 s9;
	s9 =	sadd.s32 $0x100, s9  }
.Ltmp0:
0x19: {  	[tilespmem:s8+$0xBE20] =	vst v0;
	(pc) =	sbr.rel @p0 .LBB2_2-.Ltmp0, $3  }
0x1a: {  	[tilespmem:s8+$0xBE00] =	vst v0  }
0x1b: {  	[tilespmem:s8+$0xBE10] =	vst v0;
	_ =	sdelay $0x1  }
0x1c: {  	s8 =	sshra.s32 s10, $0x2  }
0x1d: {  	[tilespmem:s8+$0xBE30] =	vst v0  }
0x1e: {  	[tilespmem:s8+$0xBE20] =	vst v0  }
0x1f: {  	[tilespmem:s8+$0xBE00] =	vst v0  }
0x20: {  	[tilespmem:s8+$0xBE10] =	vst v0  }
0x21: {  	[tilespmem:$0xC800] =	vst v0  }
0x22: {  	[tilespmem:$0xC810] =	vst v0  }
0x23: {  	[tilespmem:$0xC820] =	vst v0  }
0x24: {  	[tilespmem:$0xC830] =	vst v0  }
0x25: {  	[tilespmem:$0xC840] =	vst v0  }
0x26: {  	[tilespmem:$0xC850] =	vst v0  }
0x27: {  	[tilespmem:$0xC860] =	vst v0  }
0x28: {  	[tilespmem:$0xC870] =	vst v0  }
0x29: {  	[tilespmem:$0xC880] =	vst v0  }
0x2a: {  	[tilespmem:$0xC890] =	vst v0  }
0x2b: {  	[tilespmem:$0xC8A0] =	vst v0  }
0x2c: {  	[tilespmem:$0xC8B0] =	vst v0  }
0x2d: {  	[tilespmem:$0xC8C0] =	vst v0  }
0x2e: {  	[tilespmem:$0xC8D0] =	vst v0  }
0x2f: {  	[tilespmem:$0xC8E0] =	vst v0  }
0x30: {  	[tilespmem:$0xC8F0] =	vst v0  }
0x31: {  	[tilespmem:$0xC900] =	vst v0  }
0x32: {  	[tilespmem:$0xC910] =	vst v0  }
0x33: {  	[tilespmem:$0xC920] =	vst v0  }
0x34: {  	[tilespmem:$0xC930] =	vst v0  }
0x35: {  	[tilespmem:$0xC940] =	vst v0  }
0x36: {  	[tilespmem:$0xC950] =	vst v0  }
0x37: {  	[tilespmem:$0xC960] =	vst v0  }
0x38: {  	[tilespmem:$0xC970] =	vst v0  }
0x39: {  	[tilespmem:$0xC980] =	vst v0  }
0x3a: {  	[tilespmem:$0xC990] =	vst v0  }
0x3b: {  	[tilespmem:$0xC9A0] =	vst v0  }
0x3c: {  	[tilespmem:$0xC9B0] =	vst v0  }
0x3d: {  	[tilespmem:$0xC9C0] =	vst v0  }
0x3e: {  	[tilespmem:$0xC9D0] =	vst v0  }
0x3f: {  	[tilespmem:$0xC9E0] =	vst v0  }
0x40: {  	[tilespmem:$0xC9F0] =	vst v0  }
0x41: {  	[tilespmem:$0xCA00] =	vst v0  }
0x42: {  	[tilespmem:$0xCA10] =	vst v0  }
0x43: {  	[tilespmem:$0xCA20] =	vst v0  }
0x44: {  	[tilespmem:$0xCA30] =	vst v0  }
0x45: {  	[tilespmem:$0xCA40] =	vst v0  }
0x46: {  	[tilespmem:$0xCA50] =	vst v0  }
0x47: {  	[tilespmem:$0xCA60] =	vst v0  }
0x48: {  	[tilespmem:$0xCA70] =	vst v0  }
0x49: {  	[spmem:s7] =	stream.linear.scatter [tilespmem:s30], [sflag:$0x1], $0xA00, $0x38;
	[tilespmem:$0x19500] =	vst v63  }
0x4a: {  	_ =	swait.ge [sflag:s31], $0xA00  }
0x4b: {  	[sflag:s31] =	ssyncset.done $0x0  }
0x4c: {  	s11 =	rddreg [dreg:$0x5];
	[sflag:s31] =	ssyncadd.s32 $0xFFFFF600  }
0x4d: {  	[spmem:s11] =	stream.linear.scatter [tilespmem:s30], [sflag:$0x1], $0xA00, $0x38;
	[tilespmem:$0x19500] =	vst v63  }
0x4e: {  	_ =	swait.ge [sflag:s31], $0xA00  }
0x4f: {  	[sflag:s31] =	ssyncset.done $0x0  }
0x50: {  	s9 =	rddreg [dreg:$0x6];
	[sflag:s31] =	ssyncadd.s32 $0xFFFFF600  }
0x51: {  	[spmem:s9] =	stream.linear.scatter [tilespmem:s30], [sflag:$0x1], $0xA00, $0x38;
	[tilespmem:$0x19500] =	vst v63  }
0x52: {  	_ =	swait.ge [sflag:s31], $0xA00  }
0x53: {  	[sflag:s31] =	ssyncset.done $0x0  }
0x54: {  	s10 =	rddreg [dreg:$0x7];
	[sflag:s31] =	ssyncadd.s32 $0xFFFFF600  }
0x55: {  	[spmem:s10] =	stream.linear.scatter [tilespmem:s30], [sflag:$0x1], $0xA00, $0x38;
	[tilespmem:$0x19500] =	vst v63  }
0x56: {  	_ =	swait.ge [sflag:s31], $0xA00  }
0x57: {  	[sflag:s31] =	ssyncset.done $0x0  }
0x58: {  	s11 =	rddreg [dreg:$0x8];
	[sflag:s31] =	ssyncadd.s32 $0xFFFFF600  }
0x59: {  	[spmem:s11] =	stream.linear.scatter [tilespmem:s30], [sflag:$0x1], $0xA00, $0x38;
	[tilespmem:$0x19500] =	vst v63  }
0x5a: {  	_ =	swait.ge [sflag:s31], $0xA00  }
0x5b: {  	[sflag:s31] =	ssyncset.done $0x0  }
0x5c: {  	[sflag:s31] =	ssyncadd.s32 $0xFFFFF600  }
0x5d: {  	[spmem:s12] =	stream.linear.scatter [tilespmem:s30], [sflag:$0x1], $0xA00, $0x38;
	[tilespmem:$0x19500] =	vst v63  }
0x5e: {  	_ =	swait.ge [sflag:s31], $0xA00  }
0x5f: {  	[sflag:s31] =	ssyncset.done $0x0  }
0x60: {  	[sflag:s31] =	ssyncadd.s32 $0xFFFFF600  }
0x61: {  	[spmem:s13] =	stream.linear.scatter [tilespmem:s30], [sflag:$0x1], $0xA00, $0x38;
	[tilespmem:$0x19500] =	vst v63  }
0x62: {  	_ =	swait.ge [sflag:s31], $0xA00  }
0x63: {  	[sflag:s31] =	ssyncset.done $0x0  }
0x64: {  	[sflag:s31] =	ssyncadd.s32 $0xFFFFF600  }
0x65: {  	[spmem:s14] =	stream.linear.scatter [tilespmem:s30], [sflag:$0x1], $0xA00, $0x38;
	[tilespmem:$0x19500] =	vst v63  }
0x66: {  	_ =	swait.ge [sflag:s31], $0xA00  }
0x67: {  	[sflag:s31] =	ssyncset.done $0x0  }
0x68: {  	[sflag:s31] =	ssyncadd.s32 $0xFFFFF600  }
0x69: {  	[spmem:s15] =	stream.linear.scatter [tilespmem:s30], [sflag:$0x1], $0xA00, $0x38;
	[tilespmem:$0x19500] =	vst v63  }
0x6a: {  	_ =	swait.ge [sflag:s31], $0xA00  }
0x6b: {  	[sflag:s31] =	ssyncset.done $0x0  }
0x6c: {  	[sflag:s31] =	ssyncadd.s32 $0xFFFFF600  }
0x6d: {  	[spmem:s16] =	stream.linear.scatter [tilespmem:s30], [sflag:$0x1], $0xA00, $0x38;
	[tilespmem:$0x19500] =	vst v63  }
0x6e: {  	_ =	swait.ge [sflag:s31], $0xA00  }
0x6f: {  	[sflag:s31] =	ssyncset.done $0x0  }
0x70: {  	[sflag:s31] =	ssyncadd.s32 $0xFFFFF600  }
0x71: {  	[spmem:s17] =	stream.linear.scatter [tilespmem:s30], [sflag:$0x1], $0xA00, $0x38;
	[tilespmem:$0x19500] =	vst v63  }
0x72: {  	_ =	swait.ge [sflag:s31], $0xA00  }
0x73: {  	[sflag:s31] =	ssyncset.done $0x0  }
0x74: {  	[sflag:s31] =	ssyncadd.s32 $0xFFFFF600  }
0x75: {  	[spmem:s18] =	stream.linear.scatter [tilespmem:s30], [sflag:$0x1], $0xA00, $0x38;
	[tilespmem:$0x19500] =	vst v63  }
0x76: {  	_ =	swait.ge [sflag:s31], $0xA00  }
0x77: {  	[sflag:s31] =	ssyncset.done $0x0  }
0x78: {  	[sflag:s31] =	ssyncadd.s32 $0xFFFFF600  }
0x79: {  	[spmem:s19] =	stream.linear.scatter [tilespmem:s30], [sflag:$0x1], $0xA00, $0x38;
	[tilespmem:$0x19500] =	vst v63  }
0x7a: {  	_ =	swait.ge [sflag:s31], $0xA00  }
0x7b: {  	[sflag:s31] =	ssyncset.done $0x0  }
0x7c: {  	[sflag:s31] =	ssyncadd.s32 $0xFFFFF600  }
0x7d: {  	[spmem:s20] =	stream.linear.scatter [tilespmem:s30], [sflag:$0x1], $0xA00, $0x38;
	[tilespmem:$0x19500] =	vst v63  }
0x7e: {  	_ =	swait.ge [sflag:s31], $0xA00  }
0x7f: {  	[sflag:s31] =	ssyncset.done $0x0  }
0x80: {  	[sflag:s31] =	ssyncadd.s32 $0xFFFFF600  }
0x81: {  	[spmem:s21] =	stream.linear.scatter [tilespmem:s30], [sflag:$0x1], $0xA00, $0x38;
	[tilespmem:$0x19500] =	vst v63  }
0x82: {  	_ =	swait.ge [sflag:s31], $0xA00  }
0x83: {  	[sflag:s31] =	ssyncset.done $0x0  }
0x84: {  	[sflag:s31] =	ssyncadd.s32 $0xFFFFF600  }
0x85: {  	[spmem:s22] =	stream.linear.scatter [tilespmem:s30], [sflag:$0x1], $0xA00, $0x38;
	[tilespmem:$0x19500] =	vst v63  }
0x86: {  	_ =	swait.ge [sflag:s31], $0xA00  }
0x87: {  	[sflag:s31] =	ssyncset.done $0x0  }
0x88: {  	s9 =	simm.s32 $0xC800;
	[sflag:s31] =	ssyncadd.s32 $0xFFFFF600  }
0x89: {  	[spmem:s23] =	stream.linear.scatter [tilespmem:s9], [sflag:$0x1], $0x280, $0x38;
	[tilespmem:$0x19500] =	vst v63  }
0x8a: {  	_ =	swait.ge [sflag:s31], $0x280  }
0x8b: {  	[sflag:s31] =	ssyncset.done $0x0  }
0x8c: {  	s10 =	simm.s32 $0x0;
	[sflag:s31] =	ssyncadd.s32 $0xFFFFFD80  }
0x8d: {  	[tilespmem:s10], [sflag:$0x1] =	stream.linear.gather [hbm4b:s24+s10], $0x2780, $0x38;
	[tilespmem:$0x19500] =	vst v63  }
0x8e: {  	_ =	swait.ge [sflag:s31], $0x2780  }
0x8f: {  	[sflag:s31] =	ssyncset.done $0x0  }
0x90: {  	[sflag:s31] =	ssyncadd.s32 $0xFFFFD880  }
0x91: {  	[tilespmem:s3], [sflag:$0x1] =	stream.linear.gather [hbm4b:s25+s10], $0x2780, $0x38;
	[tilespmem:$0x19500] =	vst v63  }
0x92: {  	_ =	swait.ge [sflag:s31], $0x2780  }
0x93: {  	[sflag:s31] =	ssyncset.done $0x0  }
0x94: {  	s9 =	rddreg [dreg:$0x4];
	[sflag:s31] =	ssyncadd.s32 $0xFFFFD880  }
0x95: {  	[tilespmem:s1], [sflag:$0x1] =	stream.linear.gather [hbm4b:s9+s10], $0x2800, $0x38;
	[tilespmem:$0x19500] =	vst v63  }
0x96: {  	_ =	swait.ge [sflag:s31], $0x2800  }
0x97: {  	[sflag:s31] =	ssyncset.done $0x0  }
0x98: {  	[sflag:s31] =	ssyncadd.s32 $0xFFFFD800  }
0x99: {  	s8 =	simm.s32 $0x0;
	[bflag:$0x0] =	sbarrier.arrive $0xFFFF  }
0x9a: {  	[tilespmem:s6], [sflag:$0x1] =	stream.indirect.gather [hbm4b:s5+s0], $0x40, s8, s0, $0xb8;
	[tilespmem:$0x19500] =	vst v63  }
0x9b: {  	_ =	swait.ge [sflag:s31], $0x2000  }
0x9c: {  	[sflag:s31] =	ssyncset.done $0x0  }
0x9d: {  	s11 =	simm.s32 $0x2780;
	[sflag:s31] =	ssyncadd.s32 $0xFFFFE000  }
0x9e: {  	[spmem:s2] =	stream.indirect.scatter.add.f32 [tilespmem:s6], [sflag:$0x1], $0x40, s11, s0, $0xb8;
	[tilespmem:$0x19500] =	vst v63  }
0x9f: {  	_ =	swait.ge [sflag:s31], $0x2000  }
0xa0: {  	[sflag:s31] =	ssyncset.done $0x0  }
0xa1: {  	[sflag:s31] =	ssyncadd.s32 $0xFFFFE000  }
0xa2: {  	v1 =	vld [tilespmem:s8+$0x2780];
	_ =	sdelay $0x5  }
0xa3: {  	v2 =	vld [tilespmem:s8+$0x2790]  }
0xa4: {  	v3 =	vld [tilespmem:s8+$0x0]  }
0xa5: {  	v1 =	vld.idx.msk [tilespmem:v1+s1+$0x0], $0xffff;
	_ =	sdelay $0x3  }
0xa6: {  	v5 =	vld [tilespmem:s8+$0x27A0];
	[tilespmem:s8+$0x4F00] =	vst v3  }
0xa7: {  	v4 =	vld [tilespmem:s8+$0x10];
	[tilespmem:s8+$0x9680] =	vst v1  }
0xa8: {  	v1 =	vld.idx.msk [tilespmem:v2+s1+$0x0], $0xffff;
	_ =	sdelay $0x3  }
0xa9: {  	v7 =	vld [tilespmem:s8+$0x27B0];
	[tilespmem:s8+$0x4F10] =	vst v4  }
0xaa: {  	v6 =	vld [tilespmem:s8+$0x20];
	[tilespmem:s8+$0x9690] =	vst v1  }
0xab: {  	v1 =	vld.idx.msk [tilespmem:v5+s1+$0x0], $0xffff;
	_ =	sdelay $0x3  }
0xac: {  	v9 =	vld [tilespmem:s8+$0x27C0];
	[tilespmem:s8+$0x4F20] =	vst v6  }
0xad: {  	v8 =	vld [tilespmem:s8+$0x30];
	[tilespmem:s8+$0x96A0] =	vst v1  }
0xae: {  	v1 =	vld.idx.msk [tilespmem:v7+s1+$0x0], $0xffff;
	_ =	sdelay $0x3  }
0xaf: {  	v10 =	vld [tilespmem:s8+$0x27D0];
	[tilespmem:s8+$0x4F30] =	vst v8  }
0xb0: {  	v11 =	vld [tilespmem:s8+$0x40];
	[tilespmem:s8+$0x96B0] =	vst v1  }
0xb1: {  	v1 =	vld.idx.msk [tilespmem:v9+s1+$0x0], $0xffff;
	_ =	sdelay $0x3  }
0xb2: {  	v3 =	vld [tilespmem:s8+$0x27E0];
	[tilespmem:s8+$0x4F40] =	vst v11  }
0xb3: {  	v12 =	vld [tilespmem:s8+$0x50];
	[tilespmem:s8+$0x96C0] =	vst v1  }
0xb4: {  	v1 =	vld.idx.msk [tilespmem:v10+s1+$0x0], $0xffff;
	_ =	sdelay $0x3  }
0xb5: {  	v63 =	vld [tilespmem:s8+$0x27F0];
	[tilespmem:s8+$0x4F50] =	vst v12  }
0xb6: {  	v2 =	vld [tilespmem:s8+$0x60];
	[tilespmem:s8+$0x96D0] =	vst v1  }
0xb7: {  	v1 =	vld.idx.msk [tilespmem:v3+s1+$0x0], $0xffff;
	_ =	sdelay $0x1  }
0xb8: {  	v13 =	vld [tilespmem:s8+$0x70];
	_ =	sdelay $0x1  }
0xb9: {  	[tilespmem:s8+$0x4F60] =	vst v2  }
0xba: {  	[tilespmem:s8+$0x96E0] =	vst v1  }
0xbb: {  	v1 =	vld.idx.msk [tilespmem:v63+s1+$0x0], $0xffff  }
0xbc: {  	s9 =	simm.s32 $0x200;
	s10 =	simm.s32 $0x400;
	[tilespmem:s8+$0x4F70] =	vst v13  }
.LBB2_4:
0xbd: {  	_ =	sdelay $0x1  }
0xbe: {  	p0 =	sne.s32 s10, $0x9C00  }
0xbf: {  	[tilespmem:s8+$0x96F0] =	vst v1;
	s8 =	sshra.s32 s9, $0x2;
	s9 =	smov.u32 s10;
	s10 =	sadd.s32 $0x200, s10  }
0xc0: {  	[tilespmem:s6], [sflag:$0x1] =	stream.indirect.gather [hbm4b:s5+s0], $0x40, s8, s0, $0xb8;
	[tilespmem:$0x19500] =	vst v63  }
0xc1: {  	_ =	swait.ge [sflag:s31], $0x2000  }
0xc2: {  	[sflag:s31] =	ssyncset.done $0x0  }
0xc3: {  	s11 =	sadd.s32 $0x2780, s8;
	[sflag:s31] =	ssyncadd.s32 $0xFFFFE000  }
0xc4: {  	[spmem:s2] =	stream.indirect.scatter.add.f32 [tilespmem:s6], [sflag:$0x1], $0x40, s11, s0, $0xb8;
	[tilespmem:$0x19500] =	vst v63  }
0xc5: {  	_ =	swait.ge [sflag:s31], $0x2000  }
0xc6: {  	[sflag:s31] =	ssyncset.done $0x0  }
0xc7: {  	[sflag:s31] =	ssyncadd.s32 $0xFFFFE000  }
0xc8: {  	v1 =	vld [tilespmem:s8+$0x2780]  }
0xc9: {  	v2 =	vld [tilespmem:s8+$0x2790]  }
0xca: {  	v3 =	vld [tilespmem:s8+$0x0]  }
0xcb: {  	v4 =	vld [tilespmem:s8+$0x10]  }
0xcc: {  	v5 =	vld [tilespmem:s8+$0x27A0]  }
0xcd: {  	v6 =	vld [tilespmem:s8+$0x20]  }
0xce: {  	v7 =	vld [tilespmem:s8+$0x27B0]  }
0xcf: {  	v8 =	vld [tilespmem:s8+$0x30]  }
0xd0: {  	v1 =	vld.idx.msk [tilespmem:v1+s1+$0x0], $0xffff  }
0xd1: {  	v9 =	vld [tilespmem:s8+$0x27C0]  }
0xd2: {  	v10 =	vld [tilespmem:s8+$0x27D0]  }
0xd3: {  	v11 =	vld [tilespmem:s8+$0x40]  }
0xd4: {  	v12 =	vld [tilespmem:s8+$0x50]  }
0xd5: {  	[tilespmem:s8+$0x4F00] =	vst v3;
	v3 =	vld [tilespmem:s8+$0x27E0]  }
0xd6: {  	[tilespmem:s8+$0x9680] =	vst v1;
	v1 =	vld [tilespmem:s8+$0x60]  }
0xd7: {  	v2 =	vld.idx.msk [tilespmem:v2+s1+$0x0], $0xffff  }
0xd8: {  	[tilespmem:s8+$0x4F10] =	vst v4;
	v4 =	vld [tilespmem:s8+$0x27F0]  }
0xd9: {  	v13 =	vld [tilespmem:s8+$0x70];
	_ =	sdelay $0x3  }
0xda: {  	[tilespmem:s8+$0x9690] =	vst v2  }
0xdb: {  	v2 =	vld.idx.msk [tilespmem:v5+s1+$0x0], $0xffff  }
0xdc: {  	[tilespmem:s8+$0x4F20] =	vst v6;
	_ =	sdelay $0x4  }
0xdd: {  	[tilespmem:s8+$0x96A0] =	vst v2  }
0xde: {  	v2 =	vld.idx.msk [tilespmem:v7+s1+$0x0], $0xffff  }
0xdf: {  	[tilespmem:s8+$0x4F30] =	vst v8;
	_ =	sdelay $0x4  }
0xe0: {  	[tilespmem:s8+$0x96B0] =	vst v2  }
0xe1: {  	v2 =	vld.idx.msk [tilespmem:v9+s1+$0x0], $0xffff  }
0xe2: {  	[tilespmem:s8+$0x4F40] =	vst v11;
	_ =	sdelay $0x4  }
0xe3: {  	[tilespmem:s8+$0x96C0] =	vst v2  }
0xe4: {  	v2 =	vld.idx.msk [tilespmem:v10+s1+$0x0], $0xffff  }
0xe5: {  	[tilespmem:s8+$0x4F50] =	vst v12;
	_ =	sdelay $0x4  }
0xe6: {  	[tilespmem:s8+$0x96D0] =	vst v2  }
0xe7: {  	v2 =	vld.idx.msk [tilespmem:v3+s1+$0x0], $0xffff  }
0xe8: {  	[tilespmem:s8+$0x4F60] =	vst v1;
	_ =	sdelay $0x2  }
.Ltmp1:
0xe9: {  	(pc) =	sbr.rel @p0 .LBB2_4-.Ltmp1, $4  }
0xea: {  	_ = 	snop  }
0xeb: {  	[tilespmem:s8+$0x96E0] =	vst v2  }
0xec: {  	v1 =	vld.idx.msk [tilespmem:v4+s1+$0x0], $0xffff  }
0xed: {  	[tilespmem:s8+$0x4F70] =	vst v13  }
0xee: {  	_ =	sdelay $0x2  }
0xef: {  	s9 =	sshra.s32 s9, $0x2;
	[tilespmem:s8+$0x96F0] =	vst v1  }
0xf0: {  	[tilespmem:s6], [sflag:$0x1] =	stream.indirect.gather [hbm4b:s5+s0], $0x40, s9, s0, $0xb8;
	[tilespmem:$0x19500] =	vst v63  }
0xf1: {  	_ =	swait.ge [sflag:s31], $0x2000  }
0xf2: {  	[sflag:s31] =	ssyncset.done $0x0  }
0xf3: {  	s11 =	sadd.s32 $0x2780, s9;
	[sflag:s31] =	ssyncadd.s32 $0xFFFFE000  }
0xf4: {  	[spmem:s2] =	stream.indirect.scatter.add.f32 [tilespmem:s6], [sflag:$0x1], $0x40, s11, s0, $0xb8;
	[tilespmem:$0x19500] =	vst v63  }
0xf5: {  	_ =	swait.ge [sflag:s31], $0x2000  }
0xf6: {  	[sflag:s31] =	ssyncset.done $0x0  }
0xf7: {  	[sflag:s31] =	ssyncadd.s32 $0xFFFFE000  }
0xf8: {  	v1 =	vld [tilespmem:s9+$0x2780];
	_ =	sdelay $0x5  }
0xf9: {  	v2 =	vld [tilespmem:s9+$0x2790]  }
0xfa: {  	v3 =	vld [tilespmem:s9+$0x0]  }
0xfb: {  	v1 =	vld.idx.msk [tilespmem:v1+s1+$0x0], $0xffff;
	_ =	sdelay $0x3  }
0xfc: {  	v4 =	vld [tilespmem:s9+$0x27A0];
	[tilespmem:s9+$0x4F00] =	vst v3  }
0xfd: {  	v3 =	vld [tilespmem:s9+$0x10];
	[tilespmem:s9+$0x9680] =	vst v1  }
0xfe: {  	v1 =	vld.idx.msk [tilespmem:v2+s1+$0x0], $0xffff;
	_ =	sdelay $0x3  }
0xff: {  	v2 =	vld [tilespmem:s9+$0x27B0];
	[tilespmem:s9+$0x4F10] =	vst v3  }
0x100: {  	v3 =	vld [tilespmem:s9+$0x20];
	[tilespmem:s9+$0x9690] =	vst v1  }
0x101: {  	v1 =	vld.idx.msk [tilespmem:v4+s1+$0x0], $0xffff;
	_ =	sdelay $0x3  }
0x102: {  	v62 =	vld [tilespmem:s9+$0x27C0];
	[tilespmem:s9+$0x4F20] =	vst v3  }
0x103: {  	v3 =	vld [tilespmem:s9+$0x30];
	[tilespmem:s9+$0x96A0] =	vst v1  }
0x104: {  	v1 =	vld.idx.msk [tilespmem:v2+s1+$0x0], $0xffff;
	_ =	sdelay $0x3  }
0x105: {  	v2 =	vld [tilespmem:s9+$0x27D0];
	[tilespmem:s9+$0x4F30] =	vst v3  }
0x106: {  	v3 =	vld [tilespmem:s9+$0x40];
	[tilespmem:s9+$0x96B0] =	vst v1  }
0x107: {  	v1 =	vld.idx.msk [tilespmem:v62+s1+$0x0], $0xffff;
	_ =	sdelay $0x3  }
0x108: {  	v63 =	vld [tilespmem:s9+$0x27E0];
	[tilespmem:s9+$0x4F40] =	vst v3  }
0x109: {  	v3 =	vld [tilespmem:s9+$0x50];
	[tilespmem:s9+$0x96C0] =	vst v1  }
0x10a: {  	v1 =	vld.idx.msk [tilespmem:v2+s1+$0x0], $0xffff;
	_ =	sdelay $0x3  }
0x10b: {  	v2 =	vld [tilespmem:s9+$0x27F0];
	[tilespmem:s9+$0x4F50] =	vst v3  }
0x10c: {  	v3 =	vld [tilespmem:s9+$0x60];
	[tilespmem:s9+$0x96D0] =	vst v1  }
0x10d: {  	v1 =	vld.idx.msk [tilespmem:v63+s1+$0x0], $0xffff;
	_ =	sdelay $0x3  }
0x10e: {  	[tilespmem:s9+$0x4F60] =	vst v3  }
0x10f: {  	v3 =	vld [tilespmem:s9+$0x70];
	[tilespmem:s9+$0x96E0] =	vst v1  }
0x110: {  	v1 =	vld.idx.msk [tilespmem:v2+s1+$0x0], $0xffff;
	_ =	sdelay $0x3  }
0x111: {  	[tilespmem:s9+$0x4F70] =	vst v3  }
0x112: {  	s10 =	simm.s32 $0x9680;
	s11 =	simm.s32 $0x4F00;
	[tilespmem:s9+$0x96F0] =	vst v1;
	s9 =	rddreg [dreg:$0x2]  }
0x113: {  	[spmem:s9] =	stream.indirect.scatter.add.f32 [tilespmem:s10], [sflag:$0x1], $0x1, s11, s3, $0xb8;
	[tilespmem:$0x19500] =	vst v63  }
0x114: {  	_ =	swait.ge [sflag:s31], $0x2780  }
0x115: {  	s9 =	stileid.u32;
	[sflag:s31] =	ssyncset.done $0x0  }
0x116: {  	s8 =	sshll.u32 s9, $0x6;
	[sflag:s31] =	ssyncadd.s32 $0xFFFFD880  }
0x117: {  	s10 =	sshrl.u32 s7, $0x3;
	s8 =	sor.u32 $0x1C01, s8;
	[bflag:$0x0] =	sbarrier.arrive $0xFFFF  }
0x118: {  	[hbm:s26], [sflag:s8] =	dma.local [spmem:s10], $0x1400  }
0x119: {  	s4 =	sadd.s32 $0x1, s4;
	_ =	swait.ge [sflag:s31], $0x1400  }
0x11a: {  	p0 =	sne.s32 s4, s29;
	[sflag:s31] =	ssyncset.done $0x0  }
.Ltmp2:
0x11b: {  	s11 =	sshrl.u32 s23, $0x3;
	[sflag:s31] =	ssyncadd.s32 $0xFFFFEC00;
	(pc) =	sbr.rel @p0 .LBB2_1-.Ltmp2, $4  }
0x11c: {  	[hbm:s28], [sflag:s8] =	dma.local [spmem:s11], $0x50  }
0x11d: {  	_ =	swait.ge [sflag:s31], $0x50  }
0x11e: {  	[sflag:s31] =	ssyncset.done $0x0  }
0x11f: {  	[sflag:s31] =	ssyncadd.s32 $0xFFFFFFB0  }
0x120: {  	_ =	sfence.sel $0x180000  }
0x121: {  	[bflag:$0x0] =	sbarrier.arrive $0xFFFF  }
0x122: {  	_ =	strace $0x9000004A  }
0x123: {  	s0 =	stileid.u32;
	[bflag:$0x2] =	sbarrier.arrive $0xFFFF  }
0x124: {  	p0 =	sne.s32 s0, $0x0;
	s0 =	rddreg [dreg:$0x3]  }
0x125: {  	s0 =	sadd.s32 @!p0 $0x100000, s0  }
0x126: {  	[sflag:s0] =	ssyncadd.tile.s32 @!p0 $0x1;
	_ =	shalt  }
.Lfunc_end2:
_tile_overlayer_lowered:
.L_overlay_start_2:
0x127: {  	(tag) =	ssettag $0x2  }
0x128: {  	s0 =	rddreg [dreg:$0x0];
	s2 =	stileid.u32  }
0x129: {  	s1 =	rddreg [dreg:$0x1];
	p0 =	sne.s32 s2, $0x0  }
0x12a: {  	s3 =	rddreg [dreg:$0x2];
	[bflag:$0x3] =	sbarrier.arrive $0xFFFF;
	s2 =	simm.s32 @!p0 $0x1C01  }
0x12b: {  	[timem:s3], [sflag:s2] =	dma.local @!p0 [hbm:s0], s1  }
0x12c: {  	s0 =	simm.s32 @!p0 $0x1  }
0x12d: {  	_ =	swait.ge @!p0 [sflag:s0], s1  }
0x12e: {  	s1 =	ssub.s32 @!p0 $0x0, s1;
	[sflag:s0] =	ssyncset.done @!p0 $0x0  }
0x12f: {  	[sflag:s0] =	ssyncadd.s32 @!p0 s1  }
0x130: {  	[bflag:$0x3] =	sbarrier.arrive $0xFFFF  }
0x131: {  	_ =	shalt  }

</sc_bundles>
